<compile_context>
chip_gen: v7x
topology: tpu7x:2x2x1
jax: 0.10.2.dev20260603
libtpu: 0.0.44.dev20260713+nightly
codegen_flags: <defaults>
</compile_context>

<pallas_src>
import functools

import jax
import jax.numpy as jnp
from jax import lax
from jax.experimental import pallas as pl
from jax.experimental.pallas import tpu as pltpu
from jax.experimental.pallas import tpu_sc as plsc

B, V, D = 16384, 100000, 128
CHUNK = 128
NCHUNKS = 1


def _sc_gather(emb, idx2d, nidx, *, nc, ns):
    nw = nc * ns
    rows_per_w = nidx // nw
    chunks_per_w = rows_per_w // CHUNK
    idx_rows_per_w = rows_per_w // CHUNK

    mesh = plsc.VectorSubcoreMesh(
        core_axis_name="c", subcore_axis_name="s",
        num_cores=nc, num_subcores=ns)

    nbuf = 6
    depth = 3

    @functools.partial(
        pl.kernel,
        out_type=jax.ShapeDtypeStruct((nidx, D), jnp.float32),
        mesh=mesh,
        scratch_types=[
            pltpu.VMEM((idx_rows_per_w, CHUNK), jnp.int32),
        ] + [pltpu.VMEM((CHUNK, D), jnp.float32) for _ in range(nbuf)]
          + [pltpu.SemaphoreType.DMA for _ in range(2 * nbuf)],
    )
    def gather_kernel(emb_hbm, idx_hbm, out_hbm, idx_v, *rest):
        bufs = rest[:nbuf]
        gsems = rest[nbuf:2 * nbuf]
        wsems = rest[2 * nbuf:]
        wid = lax.axis_index("s") * nc + lax.axis_index("c")
        base_row = wid * rows_per_w
        pltpu.sync_copy(idx_hbm.at[pl.ds(wid * idx_rows_per_w, idx_rows_per_w)],
                        idx_v)

        def out_ref(j):
            return out_hbm.at[pl.ds(base_row + j * CHUNK, CHUNK)]

        for j in range(min(depth, chunks_per_w)):
            pltpu.async_copy(emb_hbm.at[idx_v.at[j]], bufs[j % nbuf],
                             gsems[j % nbuf])
        for j in range(chunks_per_w):
            k = j % nbuf
            pltpu.make_async_copy(emb_hbm.at[idx_v.at[j]], bufs[k],
                                  gsems[k]).wait()
            pltpu.async_copy(bufs[k], out_ref(j), wsems[k])
            jj = j + depth
            if jj < chunks_per_w:
                kk = jj % nbuf
                if jj >= nbuf:
                    pltpu.make_async_copy(bufs[kk], out_ref(jj - nbuf),
                                          wsems[kk]).wait()
                pltpu.async_copy(emb_hbm.at[idx_v.at[jj]], bufs[kk],
                                 gsems[kk])
        for j in range(max(0, chunks_per_w - nbuf), chunks_per_w):
            k = j % nbuf
            pltpu.make_async_copy(bufs[k], out_ref(j), wsems[k]).wait()

    return gather_kernel(emb, idx2d)


def _tc_mlp_kernel(g0_ref, g1_ref, w1a_ref, w1b_ref, b1_ref, w2_ref, b2_ref,
                   w3_ref, b3_ref, o_ref):
    h = (jnp.dot(g0_ref[...], w1a_ref[...], preferred_element_type=jnp.float32)
         + jnp.dot(g1_ref[...], w1b_ref[...],
                   preferred_element_type=jnp.float32))
    h = jnp.maximum(h + b1_ref[...], 0.0)
    h = jnp.dot(h, w2_ref[...], preferred_element_type=jnp.float32)
    h = jnp.maximum(h + b2_ref[...], 0.0)
    o_ref[...] = lax.dot_general(
        w3_ref[...], h, (((1,), (1,)), ((), ())),
        preferred_element_type=jnp.float32) + b3_ref[...]


def _tc_mlp(g, w1at, w1bt, b1r, w2t, b2r, w3r, b3r, *, bsz, blk):
    grid = (bsz // blk,)
    half = bsz // blk
    return pl.pallas_call(
        _tc_mlp_kernel,
        grid=grid,
        in_specs=[
            pl.BlockSpec((blk, D), lambda i: (i, 0)),
            pl.BlockSpec((blk, D), lambda i, h=half: (i + h, 0)),
            pl.BlockSpec((D, D), lambda i: (0, 0)),
            pl.BlockSpec((D, D), lambda i: (0, 0)),
            pl.BlockSpec((1, D), lambda i: (0, 0)),
            pl.BlockSpec((D, D), lambda i: (0, 0)),
            pl.BlockSpec((1, D), lambda i: (0, 0)),
            pl.BlockSpec((1, D), lambda i: (0, 0)),
            pl.BlockSpec((1, 1), lambda i: (0, 0)),
        ],
        out_specs=pl.BlockSpec((1, blk), lambda i: (0, i)),
        out_shape=jax.ShapeDtypeStruct((1, bsz), jnp.float32),
    )(g, g, w1at, w1bt, b1r, w2t, b2r, w3r, b3r).reshape(bsz, 1)


def kernel(x, emb, W1, b1, W2, b2, W3, b3):
    info = plsc.get_sparse_core_info()
    nc, ns = info.num_cores, info.num_subcores
    w1t = W1.T
    w1at, w1bt = w1t[:D], w1t[D:]
    b1r, b2r = b1.reshape(1, D), b2.reshape(1, D)
    w2t = W2.T
    w3r, b3r = W3.reshape(1, D), b3.reshape(1, 1)
    xi = x.astype(jnp.int32)

    bc = B // NCHUNKS
    outs = []
    for c in range(NCHUNKS):
        xc = lax.slice_in_dim(xi, c * bc, (c + 1) * bc, axis=0)
        idx2d = xc.T.reshape(2 * bc // CHUNK, CHUNK)
        g = _sc_gather(emb, idx2d, 2 * bc, nc=nc, ns=ns)
        outs.append(_tc_mlp(g, w1at, w1bt, b1r, w2t, b2r, w3r, b3r,
                            bsz=bc, blk=2048))
    return jnp.concatenate(outs, axis=0)

# --- scband reference (transcript-rebuilt; emitter-appended) ---
"""Pipeline reference for scband-model-712964571200 (READ-ONLY COPY).

The authoritative reference and input builder live on the scoring server;
editing this copy changes nothing except your own understanding.
"""

import jax, jax.numpy as jnp
import numpy as np

B, V, D = 16384, 100000, 128

def setup_inputs(seed: int = 0) -> dict:
    key = jax.random.key(seed)
    ks = jax.random.split(key, 8)
    x = jax.random.randint(ks[0], (B, 2), 0, V)
    emb = jax.random.uniform(ks[1], (V, D), minval=-10.0, maxval=10.0, dtype=jnp.float32)
    W1 = jax.random.normal(ks[2], (D, 2 * D), dtype=jnp.float32) * 0.05
    b1 = jnp.zeros((D,), dtype=jnp.float32)
    W2 = jax.random.normal(ks[3], (D, D), dtype=jnp.float32) * 0.05
    b2 = jnp.zeros((D,), dtype=jnp.float32)
    W3 = jax.random.normal(ks[4], (1, D), dtype=jnp.float32) * 0.05
    b3 = jnp.zeros((1,), dtype=jnp.float32)
    return {"x": x, "emb": emb, "W1": W1, "b1": b1, "W2": W2, "b2": b2, "W3": W3, "b3": b3}

def reference(x, emb, W1, b1, W2, b2, W3, b3):
    # nn.Embedding lookup: [B, 2] -> [B, 2, D]
    h = jnp.take(emb, x, axis=0)
    # nn.Flatten: [B, 2*D]
    h = h.reshape(h.shape[0], -1)
    # Linear(2D, D) + ReLU (torch Linear: y = x @ W.T + b)
    h = jax.nn.relu(h @ W1.T + b1)
    # Linear(D, D) + ReLU
    h = jax.nn.relu(h @ W2.T + b2)
    # Linear(D, 1)
    out = h @ W3.T + b3
    return out

if __name__ == "__main__":
    import jax
    _d = setup_inputs()
    print(jax.jit(kernel)(*tuple(_d.values())))

</pallas_src>

<mosaic_0001>
#map = affine_map<(d0, d1) -> (0, 0)>
module attributes {stable_mosaic.version = 14 : i64} {
  func.func @gather_kernel(%arg0: i32, %arg1: i32, %arg2: memref<100000x128xf32, #tpu.memory_space<hbm>>, %arg3: memref<256x128xi32, #tpu.memory_space<hbm>>, %arg4: memref<32768x128xf32, #tpu.memory_space<hbm>>, %arg5: memref<8x128xi32, #tpu.memory_space<vmem>>, %arg6: memref<128x128xf32, #tpu.memory_space<vmem>>, %arg7: memref<128x128xf32, #tpu.memory_space<vmem>>, %arg8: memref<128x128xf32, #tpu.memory_space<vmem>>, %arg9: memref<128x128xf32, #tpu.memory_space<vmem>>, %arg10: memref<128x128xf32, #tpu.memory_space<vmem>>, %arg11: memref<128x128xf32, #tpu.memory_space<vmem>>, %arg12: memref<!tpu.dma_semaphore, #tpu.memory_space<semaphore_mem>>, %arg13: memref<!tpu.dma_semaphore, #tpu.memory_space<semaphore_mem>>, %arg14: memref<!tpu.dma_semaphore, #tpu.memory_space<semaphore_mem>>, %arg15: memref<!tpu.dma_semaphore, #tpu.memory_space<semaphore_mem>>, %arg16: memref<!tpu.dma_semaphore, #tpu.memory_space<semaphore_mem>>, %arg17: memref<!tpu.dma_semaphore, #tpu.memory_space<semaphore_mem>>, %arg18: memref<!tpu.dma_semaphore, #tpu.memory_space<semaphore_mem>>, %arg19: memref<!tpu.dma_semaphore, #tpu.memory_space<semaphore_mem>>, %arg20: memref<!tpu.dma_semaphore, #tpu.memory_space<semaphore_mem>>, %arg21: memref<!tpu.dma_semaphore, #tpu.memory_space<semaphore_mem>>, %arg22: memref<!tpu.dma_semaphore, #tpu.memory_space<semaphore_mem>>, %arg23: memref<!tpu.dma_semaphore, #tpu.memory_space<semaphore_mem>>) attributes {dimension_semantics = [#tpu.dimension_semantics<core_parallel>, #tpu.dimension_semantics<subcore_parallel>], iteration_bounds = array<i64: 2, 16>, scalar_prefetch = 0 : i64, scratch_operands = 19 : i64, tpu.core_type = #tpu.core_type<sc_vector_subcore>, window_params = [{transform_indices = #map}, {transform_indices = #map}, {transform_indices = #map}]} {
    %mul3A = arith.constant 2 : i32
    %mul3A_0 = arith.muli %arg1, %mul3A : i32
    %add3A = arith.addi %mul3A_0, %arg0 : i32
    %mul3A_1 = arith.constant 1024 : i32
    %mul3A_2 = arith.muli %add3A, %mul3A_1 : i32
    %mul3A_3 = arith.constant 8 : i32
    %mul3A_4 = arith.muli %add3A, %mul3A_3 : i32
    "tpu.region"() ({
      %run_scoped3A = tpu.sem_alloc : memref<!tpu.dma_semaphore, #tpu.memory_space<semaphore_mem>>
      %dma_start3A_211 = arith.constant 0 : i32
      %dma_start3A_212 = tpu.memref_slice %arg3[%mul3A_4, %dma_start3A_211] : memref<256x128xi32, #tpu.memory_space<hbm>> -> memref<8x128xi32, #tpu.memory_space<hbm>>
      %dma_start3A_213 = arith.constant 0 : i32
      %dma_start3A_214 = tpu.memref_slice %arg3[%mul3A_4, %dma_start3A_213] : memref<256x128xi32, #tpu.memory_space<hbm>> -> memref<8x128xi32, #tpu.memory_space<hbm>>
      tpu.enqueue_dma source(%dma_start3A_214 : memref<8x128xi32, #tpu.memory_space<hbm>>) target(%arg5 : memref<8x128xi32, #tpu.memory_space<vmem>>) target_semaphore(%run_scoped3A : memref<!tpu.dma_semaphore, #tpu.memory_space<semaphore_mem>>)
      %dma_wait3A_215 = arith.constant 0 : i32
      %dma_wait3A_216 = tpu.memref_slice %arg3[%mul3A_4, %dma_wait3A_215] : memref<256x128xi32, #tpu.memory_space<hbm>> -> memref<8x128xi32, #tpu.memory_space<hbm>>
      %dma_wait3A_217 = arith.constant 0 : i32
      %dma_wait3A_218 = tpu.memref_slice %arg3[%mul3A_4, %dma_wait3A_217] : memref<256x128xi32, #tpu.memory_space<hbm>> -> memref<8x128xi32, #tpu.memory_space<hbm>>
      tpu.wait_dma2 semaphore(%run_scoped3A : memref<!tpu.dma_semaphore, #tpu.memory_space<semaphore_mem>>) src(%dma_wait3A_218 : memref<8x128xi32, #tpu.memory_space<hbm>>) dst(%arg5 : memref<8x128xi32, #tpu.memory_space<vmem>>)
      tpu.yield
    }) : () -> ()
    %dma_start3A = arith.constant 0 : i32
    %dma_start3A_5 = arith.constant 0 : i32
    %dma_start3A_6 = tpu.memref_slice %arg5[%dma_start3A, %dma_start3A_5] : memref<8x128xi32, #tpu.memory_space<vmem>> -> memref<1x128xi32, #tpu.memory_space<vmem>>
    %dma_start3A_7 = tpu.memref_squeeze %dma_start3A_6 : memref<1x128xi32, #tpu.memory_space<vmem>> -> memref<128xi32, #tpu.memory_space<vmem>>
    %dma_start3A_8 = arith.constant 0 : i32
    %dma_start3A_9 = arith.constant 0 : i32
    %dma_start3A_10 = tpu.memref_slice %arg2[%dma_start3A_8, %dma_start3A_9] : memref<100000x128xf32, #tpu.memory_space<hbm>> -> memref<100000x128xf32, #tpu.memory_space<hbm>>
    tpu.enqueue_indirect_dma source(%dma_start3A_10 : memref<100000x128xf32, #tpu.memory_space<hbm>>) target(%arg6 : memref<128x128xf32, #tpu.memory_space<vmem>>) offsets(%dma_start3A_7 : memref<128xi32, #tpu.memory_space<vmem>>) semaphore(%arg12 : memref<!tpu.dma_semaphore, #tpu.memory_space<semaphore_mem>>)
    %dma_start3A_11 = arith.constant 1 : i32
    %dma_start3A_12 = arith.constant 0 : i32
    %dma_start3A_13 = tpu.memref_slice %arg5[%dma_start3A_11, %dma_start3A_12] : memref<8x128xi32, #tpu.memory_space<vmem>> -> memref<1x128xi32, #tpu.memory_space<vmem>>
    %dma_start3A_14 = tpu.memref_squeeze %dma_start3A_13 : memref<1x128xi32, #tpu.memory_space<vmem>> -> memref<128xi32, #tpu.memory_space<vmem>>
    %dma_start3A_15 = arith.constant 0 : i32
    %dma_start3A_16 = arith.constant 0 : i32
    %dma_start3A_17 = tpu.memref_slice %arg2[%dma_start3A_15, %dma_start3A_16] : memref<100000x128xf32, #tpu.memory_space<hbm>> -> memref<100000x128xf32, #tpu.memory_space<hbm>>
    tpu.enqueue_indirect_dma source(%dma_start3A_17 : memref<100000x128xf32, #tpu.memory_space<hbm>>) target(%arg7 : memref<128x128xf32, #tpu.memory_space<vmem>>) offsets(%dma_start3A_14 : memref<128xi32, #tpu.memory_space<vmem>>) semaphore(%arg13 : memref<!tpu.dma_semaphore, #tpu.memory_space<semaphore_mem>>)
    %dma_start3A_18 = arith.constant 2 : i32
    %dma_start3A_19 = arith.constant 0 : i32
    %dma_start3A_20 = tpu.memref_slice %arg5[%dma_start3A_18, %dma_start3A_19] : memref<8x128xi32, #tpu.memory_space<vmem>> -> memref<1x128xi32, #tpu.memory_space<vmem>>
    %dma_start3A_21 = tpu.memref_squeeze %dma_start3A_20 : memref<1x128xi32, #tpu.memory_space<vmem>> -> memref<128xi32, #tpu.memory_space<vmem>>
    %dma_start3A_22 = arith.constant 0 : i32
    %dma_start3A_23 = arith.constant 0 : i32
    %dma_start3A_24 = tpu.memref_slice %arg2[%dma_start3A_22, %dma_start3A_23] : memref<100000x128xf32, #tpu.memory_space<hbm>> -> memref<100000x128xf32, #tpu.memory_space<hbm>>
    tpu.enqueue_indirect_dma source(%dma_start3A_24 : memref<100000x128xf32, #tpu.memory_space<hbm>>) target(%arg8 : memref<128x128xf32, #tpu.memory_space<vmem>>) offsets(%dma_start3A_21 : memref<128xi32, #tpu.memory_space<vmem>>) semaphore(%arg14 : memref<!tpu.dma_semaphore, #tpu.memory_space<semaphore_mem>>)
    %dma_wait3A = arith.constant 0 : i32
    %dma_wait3A_25 = arith.constant 0 : i32
    %dma_wait3A_26 = tpu.memref_slice %arg5[%dma_wait3A, %dma_wait3A_25] : memref<8x128xi32, #tpu.memory_space<vmem>> -> memref<1x128xi32, #tpu.memory_space<vmem>>
    %dma_wait3A_27 = tpu.memref_squeeze %dma_wait3A_26 : memref<1x128xi32, #tpu.memory_space<vmem>> -> memref<128xi32, #tpu.memory_space<vmem>>
    %dma_wait3A_28 = arith.constant 0 : i32
    %dma_wait3A_29 = arith.constant 0 : i32
    %dma_wait3A_30 = tpu.memref_slice %arg2[%dma_wait3A_28, %dma_wait3A_29] : memref<100000x128xf32, #tpu.memory_space<hbm>> -> memref<100000x128xf32, #tpu.memory_space<hbm>>
    tpu.wait_indirect_dma semaphore(%arg12 : memref<!tpu.dma_semaphore, #tpu.memory_space<semaphore_mem>>) src(%dma_wait3A_30 : memref<100000x128xf32, #tpu.memory_space<hbm>>) dst(%arg6 : memref<128x128xf32, #tpu.memory_space<vmem>>)
    %add3A_31 = arith.constant 0 : i32
    %add3A_32 = arith.addi %mul3A_2, %add3A_31 : i32
    %dma_start3A_33 = arith.constant 0 : i32
    %dma_start3A_34 = tpu.memref_slice %arg4[%add3A_32, %dma_start3A_33] : memref<32768x128xf32, #tpu.memory_space<hbm>> -> memref<128x128xf32, #tpu.memory_space<hbm>>
    %dma_start3A_35 = arith.constant 0 : i32
    %dma_start3A_36 = tpu.memref_slice %arg4[%add3A_32, %dma_start3A_35] : memref<32768x128xf32, #tpu.memory_space<hbm>> -> memref<128x128xf32, #tpu.memory_space<hbm>>
    tpu.enqueue_dma source(%arg6 : memref<128x128xf32, #tpu.memory_space<vmem>>) target(%dma_start3A_36 : memref<128x128xf32, #tpu.memory_space<hbm>>) target_semaphore(%arg18 : memref<!tpu.dma_semaphore, #tpu.memory_space<semaphore_mem>>)
    %dma_start3A_37 = arith.constant 3 : i32
    %dma_start3A_38 = arith.constant 0 : i32
    %dma_start3A_39 = tpu.memref_slice %arg5[%dma_start3A_37, %dma_start3A_38] : memref<8x128xi32, #tpu.memory_space<vmem>> -> memref<1x128xi32, #tpu.memory_space<vmem>>
    %dma_start3A_40 = tpu.memref_squeeze %dma_start3A_39 : memref<1x128xi32, #tpu.memory_space<vmem>> -> memref<128xi32, #tpu.memory_space<vmem>>
    %dma_start3A_41 = arith.constant 0 : i32
    %dma_start3A_42 = arith.constant 0 : i32
    %dma_start3A_43 = tpu.memref_slice %arg2[%dma_start3A_41, %dma_start3A_42] : memref<100000x128xf32, #tpu.memory_space<hbm>> -> memref<100000x128xf32, #tpu.memory_space<hbm>>
    tpu.enqueue_indirect_dma source(%dma_start3A_43 : memref<100000x128xf32, #tpu.memory_space<hbm>>) target(%arg9 : memref<128x128xf32, #tpu.memory_space<vmem>>) offsets(%dma_start3A_40 : memref<128xi32, #tpu.memory_space<vmem>>) semaphore(%arg15 : memref<!tpu.dma_semaphore, #tpu.memory_space<semaphore_mem>>)
    %dma_wait3A_44 = arith.constant 1 : i32
    %dma_wait3A_45 = arith.constant 0 : i32
    %dma_wait3A_46 = tpu.memref_slice %arg5[%dma_wait3A_44, %dma_wait3A_45] : memref<8x128xi32, #tpu.memory_space<vmem>> -> memref<1x128xi32, #tpu.memory_space<vmem>>
    %dma_wait3A_47 = tpu.memref_squeeze %dma_wait3A_46 : memref<1x128xi32, #tpu.memory_space<vmem>> -> memref<128xi32, #tpu.memory_space<vmem>>
    %dma_wait3A_48 = arith.constant 0 : i32
    %dma_wait3A_49 = arith.constant 0 : i32
    %dma_wait3A_50 = tpu.memref_slice %arg2[%dma_wait3A_48, %dma_wait3A_49] : memref<100000x128xf32, #tpu.memory_space<hbm>> -> memref<100000x128xf32, #tpu.memory_space<hbm>>
    tpu.wait_indirect_dma semaphore(%arg13 : memref<!tpu.dma_semaphore, #tpu.memory_space<semaphore_mem>>) src(%dma_wait3A_50 : memref<100000x128xf32, #tpu.memory_space<hbm>>) dst(%arg7 : memref<128x128xf32, #tpu.memory_space<vmem>>)
    %add3A_51 = arith.constant 128 : i32
    %add3A_52 = arith.addi %mul3A_2, %add3A_51 : i32
    %dma_start3A_53 = arith.constant 0 : i32
    %dma_start3A_54 = tpu.memref_slice %arg4[%add3A_52, %dma_start3A_53] : memref<32768x128xf32, #tpu.memory_space<hbm>> -> memref<128x128xf32, #tpu.memory_space<hbm>>
    %dma_start3A_55 = arith.constant 0 : i32
    %dma_start3A_56 = tpu.memref_slice %arg4[%add3A_52, %dma_start3A_55] : memref<32768x128xf32, #tpu.memory_space<hbm>> -> memref<128x128xf32, #tpu.memory_space<hbm>>
    tpu.enqueue_dma source(%arg7 : memref<128x128xf32, #tpu.memory_space<vmem>>) target(%dma_start3A_56 : memref<128x128xf32, #tpu.memory_space<hbm>>) target_semaphore(%arg19 : memref<!tpu.dma_semaphore, #tpu.memory_space<semaphore_mem>>)
    %dma_start3A_57 = arith.constant 4 : i32
    %dma_start3A_58 = arith.constant 0 : i32
    %dma_start3A_59 = tpu.memref_slice %arg5[%dma_start3A_57, %dma_start3A_58] : memref<8x128xi32, #tpu.memory_space<vmem>> -> memref<1x128xi32, #tpu.memory_space<vmem>>
    %dma_start3A_60 = tpu.memref_squeeze %dma_start3A_59 : memref<1x128xi32, #tpu.memory_space<vmem>> -> memref<128xi32, #tpu.memory_space<vmem>>
    %dma_start3A_61 = arith.constant 0 : i32
    %dma_start3A_62 = arith.constant 0 : i32
    %dma_start3A_63 = tpu.memref_slice %arg2[%dma_start3A_61, %dma_start3A_62] : memref<100000x128xf32, #tpu.memory_space<hbm>> -> memref<100000x128xf32, #tpu.memory_space<hbm>>
    tpu.enqueue_indirect_dma source(%dma_start3A_63 : memref<100000x128xf32, #tpu.memory_space<hbm>>) target(%arg10 : memref<128x128xf32, #tpu.memory_space<vmem>>) offsets(%dma_start3A_60 : memref<128xi32, #tpu.memory_space<vmem>>) semaphore(%arg16 : memref<!tpu.dma_semaphore, #tpu.memory_space<semaphore_mem>>)
    %dma_wait3A_64 = arith.constant 2 : i32
    %dma_wait3A_65 = arith.constant 0 : i32
    %dma_wait3A_66 = tpu.memref_slice %arg5[%dma_wait3A_64, %dma_wait3A_65] : memref<8x128xi32, #tpu.memory_space<vmem>> -> memref<1x128xi32, #tpu.memory_space<vmem>>
    %dma_wait3A_67 = tpu.memref_squeeze %dma_wait3A_66 : memref<1x128xi32, #tpu.memory_space<vmem>> -> memref<128xi32, #tpu.memory_space<vmem>>
    %dma_wait3A_68 = arith.constant 0 : i32
    %dma_wait3A_69 = arith.constant 0 : i32
    %dma_wait3A_70 = tpu.memref_slice %arg2[%dma_wait3A_68, %dma_wait3A_69] : memref<100000x128xf32, #tpu.memory_space<hbm>> -> memref<100000x128xf32, #tpu.memory_space<hbm>>
    tpu.wait_indirect_dma semaphore(%arg14 : memref<!tpu.dma_semaphore, #tpu.memory_space<semaphore_mem>>) src(%dma_wait3A_70 : memref<100000x128xf32, #tpu.memory_space<hbm>>) dst(%arg8 : memref<128x128xf32, #tpu.memory_space<vmem>>)
    %add3A_71 = arith.constant 256 : i32
    %add3A_72 = arith.addi %mul3A_2, %add3A_71 : i32
    %dma_start3A_73 = arith.constant 0 : i32
    %dma_start3A_74 = tpu.memref_slice %arg4[%add3A_72, %dma_start3A_73] : memref<32768x128xf32, #tpu.memory_space<hbm>> -> memref<128x128xf32, #tpu.memory_space<hbm>>
    %dma_start3A_75 = arith.constant 0 : i32
    %dma_start3A_76 = tpu.memref_slice %arg4[%add3A_72, %dma_start3A_75] : memref<32768x128xf32, #tpu.memory_space<hbm>> -> memref<128x128xf32, #tpu.memory_space<hbm>>
    tpu.enqueue_dma source(%arg8 : memref<128x128xf32, #tpu.memory_space<vmem>>) target(%dma_start3A_76 : memref<128x128xf32, #tpu.memory_space<hbm>>) target_semaphore(%arg20 : memref<!tpu.dma_semaphore, #tpu.memory_space<semaphore_mem>>)
    %dma_start3A_77 = arith.constant 5 : i32
    %dma_start3A_78 = arith.constant 0 : i32
    %dma_start3A_79 = tpu.memref_slice %arg5[%dma_start3A_77, %dma_start3A_78] : memref<8x128xi32, #tpu.memory_space<vmem>> -> memref<1x128xi32, #tpu.memory_space<vmem>>
    %dma_start3A_80 = tpu.memref_squeeze %dma_start3A_79 : memref<1x128xi32, #tpu.memory_space<vmem>> -> memref<128xi32, #tpu.memory_space<vmem>>
    %dma_start3A_81 = arith.constant 0 : i32
    %dma_start3A_82 = arith.constant 0 : i32
    %dma_start3A_83 = tpu.memref_slice %arg2[%dma_start3A_81, %dma_start3A_82] : memref<100000x128xf32, #tpu.memory_space<hbm>> -> memref<100000x128xf32, #tpu.memory_space<hbm>>
    tpu.enqueue_indirect_dma source(%dma_start3A_83 : memref<100000x128xf32, #tpu.memory_space<hbm>>) target(%arg11 : memref<128x128xf32, #tpu.memory_space<vmem>>) offsets(%dma_start3A_80 : memref<128xi32, #tpu.memory_space<vmem>>) semaphore(%arg17 : memref<!tpu.dma_semaphore, #tpu.memory_space<semaphore_mem>>)
    %dma_wait3A_84 = arith.constant 3 : i32
    %dma_wait3A_85 = arith.constant 0 : i32
    %dma_wait3A_86 = tpu.memref_slice %arg5[%dma_wait3A_84, %dma_wait3A_85] : memref<8x128xi32, #tpu.memory_space<vmem>> -> memref<1x128xi32, #tpu.memory_space<vmem>>
    %dma_wait3A_87 = tpu.memref_squeeze %dma_wait3A_86 : memref<1x128xi32, #tpu.memory_space<vmem>> -> memref<128xi32, #tpu.memory_space<vmem>>
    %dma_wait3A_88 = arith.constant 0 : i32
    %dma_wait3A_89 = arith.constant 0 : i32
    %dma_wait3A_90 = tpu.memref_slice %arg2[%dma_wait3A_88, %dma_wait3A_89] : memref<100000x128xf32, #tpu.memory_space<hbm>> -> memref<100000x128xf32, #tpu.memory_space<hbm>>
    tpu.wait_indirect_dma semaphore(%arg15 : memref<!tpu.dma_semaphore, #tpu.memory_space<semaphore_mem>>) src(%dma_wait3A_90 : memref<100000x128xf32, #tpu.memory_space<hbm>>) dst(%arg9 : memref<128x128xf32, #tpu.memory_space<vmem>>)
    %add3A_91 = arith.constant 384 : i32
    %add3A_92 = arith.addi %mul3A_2, %add3A_91 : i32
    %dma_start3A_93 = arith.constant 0 : i32
    %dma_start3A_94 = tpu.memref_slice %arg4[%add3A_92, %dma_start3A_93] : memref<32768x128xf32, #tpu.memory_space<hbm>> -> memref<128x128xf32, #tpu.memory_space<hbm>>
    %dma_start3A_95 = arith.constant 0 : i32
    %dma_start3A_96 = tpu.memref_slice %arg4[%add3A_92, %dma_start3A_95] : memref<32768x128xf32, #tpu.memory_space<hbm>> -> memref<128x128xf32, #tpu.memory_space<hbm>>
    tpu.enqueue_dma source(%arg9 : memref<128x128xf32, #tpu.memory_space<vmem>>) target(%dma_start3A_96 : memref<128x128xf32, #tpu.memory_space<hbm>>) target_semaphore(%arg21 : memref<!tpu.dma_semaphore, #tpu.memory_space<semaphore_mem>>)
    %add3A_97 = arith.constant 0 : i32
    %add3A_98 = arith.addi %mul3A_2, %add3A_97 : i32
    %dma_wait3A_99 = arith.constant 0 : i32
    %dma_wait3A_100 = tpu.memref_slice %arg4[%add3A_98, %dma_wait3A_99] : memref<32768x128xf32, #tpu.memory_space<hbm>> -> memref<128x128xf32, #tpu.memory_space<hbm>>
    %dma_wait3A_101 = arith.constant 0 : i32
    %dma_wait3A_102 = tpu.memref_slice %arg4[%add3A_98, %dma_wait3A_101] : memref<32768x128xf32, #tpu.memory_space<hbm>> -> memref<128x128xf32, #tpu.memory_space<hbm>>
    tpu.wait_dma2 semaphore(%arg18 : memref<!tpu.dma_semaphore, #tpu.memory_space<semaphore_mem>>) src(%arg6 : memref<128x128xf32, #tpu.memory_space<vmem>>) dst(%dma_wait3A_102 : memref<128x128xf32, #tpu.memory_space<hbm>>)
    %dma_start3A_103 = arith.constant 6 : i32
    %dma_start3A_104 = arith.constant 0 : i32
    %dma_start3A_105 = tpu.memref_slice %arg5[%dma_start3A_103, %dma_start3A_104] : memref<8x128xi32, #tpu.memory_space<vmem>> -> memref<1x128xi32, #tpu.memory_space<vmem>>
    %dma_start3A_106 = tpu.memref_squeeze %dma_start3A_105 : memref<1x128xi32, #tpu.memory_space<vmem>> -> memref<128xi32, #tpu.memory_space<vmem>>
    %dma_start3A_107 = arith.constant 0 : i32
    %dma_start3A_108 = arith.constant 0 : i32
    %dma_start3A_109 = tpu.memref_slice %arg2[%dma_start3A_107, %dma_start3A_108] : memref<100000x128xf32, #tpu.memory_space<hbm>> -> memref<100000x128xf32, #tpu.memory_space<hbm>>
    tpu.enqueue_indirect_dma source(%dma_start3A_109 : memref<100000x128xf32, #tpu.memory_space<hbm>>) target(%arg6 : memref<128x128xf32, #tpu.memory_space<vmem>>) offsets(%dma_start3A_106 : memref<128xi32, #tpu.memory_space<vmem>>) semaphore(%arg12 : memref<!tpu.dma_semaphore, #tpu.memory_space<semaphore_mem>>)
    %dma_wait3A_110 = arith.constant 4 : i32
    %dma_wait3A_111 = arith.constant 0 : i32
    %dma_wait3A_112 = tpu.memref_slice %arg5[%dma_wait3A_110, %dma_wait3A_111] : memref<8x128xi32, #tpu.memory_space<vmem>> -> memref<1x128xi32, #tpu.memory_space<vmem>>
    %dma_wait3A_113 = tpu.memref_squeeze %dma_wait3A_112 : memref<1x128xi32, #tpu.memory_space<vmem>> -> memref<128xi32, #tpu.memory_space<vmem>>
    %dma_wait3A_114 = arith.constant 0 : i32
    %dma_wait3A_115 = arith.constant 0 : i32
    %dma_wait3A_116 = tpu.memref_slice %arg2[%dma_wait3A_114, %dma_wait3A_115] : memref<100000x128xf32, #tpu.memory_space<hbm>> -> memref<100000x128xf32, #tpu.memory_space<hbm>>
    tpu.wait_indirect_dma semaphore(%arg16 : memref<!tpu.dma_semaphore, #tpu.memory_space<semaphore_mem>>) src(%dma_wait3A_116 : memref<100000x128xf32, #tpu.memory_space<hbm>>) dst(%arg10 : memref<128x128xf32, #tpu.memory_space<vmem>>)
    %add3A_117 = arith.constant 512 : i32
    %add3A_118 = arith.addi %mul3A_2, %add3A_117 : i32
    %dma_start3A_119 = arith.constant 0 : i32
    %dma_start3A_120 = tpu.memref_slice %arg4[%add3A_118, %dma_start3A_119] : memref<32768x128xf32, #tpu.memory_space<hbm>> -> memref<128x128xf32, #tpu.memory_space<hbm>>
    %dma_start3A_121 = arith.constant 0 : i32
    %dma_start3A_122 = tpu.memref_slice %arg4[%add3A_118, %dma_start3A_121] : memref<32768x128xf32, #tpu.memory_space<hbm>> -> memref<128x128xf32, #tpu.memory_space<hbm>>
    tpu.enqueue_dma source(%arg10 : memref<128x128xf32, #tpu.memory_space<vmem>>) target(%dma_start3A_122 : memref<128x128xf32, #tpu.memory_space<hbm>>) target_semaphore(%arg22 : memref<!tpu.dma_semaphore, #tpu.memory_space<semaphore_mem>>)
    %add3A_123 = arith.constant 128 : i32
    %add3A_124 = arith.addi %mul3A_2, %add3A_123 : i32
    %dma_wait3A_125 = arith.constant 0 : i32
    %dma_wait3A_126 = tpu.memref_slice %arg4[%add3A_124, %dma_wait3A_125] : memref<32768x128xf32, #tpu.memory_space<hbm>> -> memref<128x128xf32, #tpu.memory_space<hbm>>
    %dma_wait3A_127 = arith.constant 0 : i32
    %dma_wait3A_128 = tpu.memref_slice %arg4[%add3A_124, %dma_wait3A_127] : memref<32768x128xf32, #tpu.memory_space<hbm>> -> memref<128x128xf32, #tpu.memory_space<hbm>>
    tpu.wait_dma2 semaphore(%arg19 : memref<!tpu.dma_semaphore, #tpu.memory_space<semaphore_mem>>) src(%arg7 : memref<128x128xf32, #tpu.memory_space<vmem>>) dst(%dma_wait3A_128 : memref<128x128xf32, #tpu.memory_space<hbm>>)
    %dma_start3A_129 = arith.constant 7 : i32
    %dma_start3A_130 = arith.constant 0 : i32
    %dma_start3A_131 = tpu.memref_slice %arg5[%dma_start3A_129, %dma_start3A_130] : memref<8x128xi32, #tpu.memory_space<vmem>> -> memref<1x128xi32, #tpu.memory_space<vmem>>
    %dma_start3A_132 = tpu.memref_squeeze %dma_start3A_131 : memref<1x128xi32, #tpu.memory_space<vmem>> -> memref<128xi32, #tpu.memory_space<vmem>>
    %dma_start3A_133 = arith.constant 0 : i32
    %dma_start3A_134 = arith.constant 0 : i32
    %dma_start3A_135 = tpu.memref_slice %arg2[%dma_start3A_133, %dma_start3A_134] : memref<100000x128xf32, #tpu.memory_space<hbm>> -> memref<100000x128xf32, #tpu.memory_space<hbm>>
    tpu.enqueue_indirect_dma source(%dma_start3A_135 : memref<100000x128xf32, #tpu.memory_space<hbm>>) target(%arg7 : memref<128x128xf32, #tpu.memory_space<vmem>>) offsets(%dma_start3A_132 : memref<128xi32, #tpu.memory_space<vmem>>) semaphore(%arg13 : memref<!tpu.dma_semaphore, #tpu.memory_space<semaphore_mem>>)
    %dma_wait3A_136 = arith.constant 5 : i32
    %dma_wait3A_137 = arith.constant 0 : i32
    %dma_wait3A_138 = tpu.memref_slice %arg5[%dma_wait3A_136, %dma_wait3A_137] : memref<8x128xi32, #tpu.memory_space<vmem>> -> memref<1x128xi32, #tpu.memory_space<vmem>>
    %dma_wait3A_139 = tpu.memref_squeeze %dma_wait3A_138 : memref<1x128xi32, #tpu.memory_space<vmem>> -> memref<128xi32, #tpu.memory_space<vmem>>
    %dma_wait3A_140 = arith.constant 0 : i32
    %dma_wait3A_141 = arith.constant 0 : i32
    %dma_wait3A_142 = tpu.memref_slice %arg2[%dma_wait3A_140, %dma_wait3A_141] : memref<100000x128xf32, #tpu.memory_space<hbm>> -> memref<100000x128xf32, #tpu.memory_space<hbm>>
    tpu.wait_indirect_dma semaphore(%arg17 : memref<!tpu.dma_semaphore, #tpu.memory_space<semaphore_mem>>) src(%dma_wait3A_142 : memref<100000x128xf32, #tpu.memory_space<hbm>>) dst(%arg11 : memref<128x128xf32, #tpu.memory_space<vmem>>)
    %add3A_143 = arith.constant 640 : i32
    %add3A_144 = arith.addi %mul3A_2, %add3A_143 : i32
    %dma_start3A_145 = arith.constant 0 : i32
    %dma_start3A_146 = tpu.memref_slice %arg4[%add3A_144, %dma_start3A_145] : memref<32768x128xf32, #tpu.memory_space<hbm>> -> memref<128x128xf32, #tpu.memory_space<hbm>>
    %dma_start3A_147 = arith.constant 0 : i32
    %dma_start3A_148 = tpu.memref_slice %arg4[%add3A_144, %dma_start3A_147] : memref<32768x128xf32, #tpu.memory_space<hbm>> -> memref<128x128xf32, #tpu.memory_space<hbm>>
    tpu.enqueue_dma source(%arg11 : memref<128x128xf32, #tpu.memory_space<vmem>>) target(%dma_start3A_148 : memref<128x128xf32, #tpu.memory_space<hbm>>) target_semaphore(%arg23 : memref<!tpu.dma_semaphore, #tpu.memory_space<semaphore_mem>>)
    %dma_wait3A_149 = arith.constant 6 : i32
    %dma_wait3A_150 = arith.constant 0 : i32
    %dma_wait3A_151 = tpu.memref_slice %arg5[%dma_wait3A_149, %dma_wait3A_150] : memref<8x128xi32, #tpu.memory_space<vmem>> -> memref<1x128xi32, #tpu.memory_space<vmem>>
    %dma_wait3A_152 = tpu.memref_squeeze %dma_wait3A_151 : memref<1x128xi32, #tpu.memory_space<vmem>> -> memref<128xi32, #tpu.memory_space<vmem>>
    %dma_wait3A_153 = arith.constant 0 : i32
    %dma_wait3A_154 = arith.constant 0 : i32
    %dma_wait3A_155 = tpu.memref_slice %arg2[%dma_wait3A_153, %dma_wait3A_154] : memref<100000x128xf32, #tpu.memory_space<hbm>> -> memref<100000x128xf32, #tpu.memory_space<hbm>>
    tpu.wait_indirect_dma semaphore(%arg12 : memref<!tpu.dma_semaphore, #tpu.memory_space<semaphore_mem>>) src(%dma_wait3A_155 : memref<100000x128xf32, #tpu.memory_space<hbm>>) dst(%arg6 : memref<128x128xf32, #tpu.memory_space<vmem>>)
    %add3A_156 = arith.constant 768 : i32
    %add3A_157 = arith.addi %mul3A_2, %add3A_156 : i32
    %dma_start3A_158 = arith.constant 0 : i32
    %dma_start3A_159 = tpu.memref_slice %arg4[%add3A_157, %dma_start3A_158] : memref<32768x128xf32, #tpu.memory_space<hbm>> -> memref<128x128xf32, #tpu.memory_space<hbm>>
    %dma_start3A_160 = arith.constant 0 : i32
    %dma_start3A_161 = tpu.memref_slice %arg4[%add3A_157, %dma_start3A_160] : memref<32768x128xf32, #tpu.memory_space<hbm>> -> memref<128x128xf32, #tpu.memory_space<hbm>>
    tpu.enqueue_dma source(%arg6 : memref<128x128xf32, #tpu.memory_space<vmem>>) target(%dma_start3A_161 : memref<128x128xf32, #tpu.memory_space<hbm>>) target_semaphore(%arg18 : memref<!tpu.dma_semaphore, #tpu.memory_space<semaphore_mem>>)
    %dma_wait3A_162 = arith.constant 7 : i32
    %dma_wait3A_163 = arith.constant 0 : i32
    %dma_wait3A_164 = tpu.memref_slice %arg5[%dma_wait3A_162, %dma_wait3A_163] : memref<8x128xi32, #tpu.memory_space<vmem>> -> memref<1x128xi32, #tpu.memory_space<vmem>>
    %dma_wait3A_165 = tpu.memref_squeeze %dma_wait3A_164 : memref<1x128xi32, #tpu.memory_space<vmem>> -> memref<128xi32, #tpu.memory_space<vmem>>
    %dma_wait3A_166 = arith.constant 0 : i32
    %dma_wait3A_167 = arith.constant 0 : i32
    %dma_wait3A_168 = tpu.memref_slice %arg2[%dma_wait3A_166, %dma_wait3A_167] : memref<100000x128xf32, #tpu.memory_space<hbm>> -> memref<100000x128xf32, #tpu.memory_space<hbm>>
    tpu.wait_indirect_dma semaphore(%arg13 : memref<!tpu.dma_semaphore, #tpu.memory_space<semaphore_mem>>) src(%dma_wait3A_168 : memref<100000x128xf32, #tpu.memory_space<hbm>>) dst(%arg7 : memref<128x128xf32, #tpu.memory_space<vmem>>)
    %add3A_169 = arith.constant 896 : i32
    %add3A_170 = arith.addi %mul3A_2, %add3A_169 : i32
    %dma_start3A_171 = arith.constant 0 : i32
    %dma_start3A_172 = tpu.memref_slice %arg4[%add3A_170, %dma_start3A_171] : memref<32768x128xf32, #tpu.memory_space<hbm>> -> memref<128x128xf32, #tpu.memory_space<hbm>>
    %dma_start3A_173 = arith.constant 0 : i32
    %dma_start3A_174 = tpu.memref_slice %arg4[%add3A_170, %dma_start3A_173] : memref<32768x128xf32, #tpu.memory_space<hbm>> -> memref<128x128xf32, #tpu.memory_space<hbm>>
    tpu.enqueue_dma source(%arg7 : memref<128x128xf32, #tpu.memory_space<vmem>>) target(%dma_start3A_174 : memref<128x128xf32, #tpu.memory_space<hbm>>) target_semaphore(%arg19 : memref<!tpu.dma_semaphore, #tpu.memory_space<semaphore_mem>>)
    %add3A_175 = arith.constant 256 : i32
    %add3A_176 = arith.addi %mul3A_2, %add3A_175 : i32
    %dma_wait3A_177 = arith.constant 0 : i32
    %dma_wait3A_178 = tpu.memref_slice %arg4[%add3A_176, %dma_wait3A_177] : memref<32768x128xf32, #tpu.memory_space<hbm>> -> memref<128x128xf32, #tpu.memory_space<hbm>>
    %dma_wait3A_179 = arith.constant 0 : i32
    %dma_wait3A_180 = tpu.memref_slice %arg4[%add3A_176, %dma_wait3A_179] : memref<32768x128xf32, #tpu.memory_space<hbm>> -> memref<128x128xf32, #tpu.memory_space<hbm>>
    tpu.wait_dma2 semaphore(%arg20 : memref<!tpu.dma_semaphore, #tpu.memory_space<semaphore_mem>>) src(%arg8 : memref<128x128xf32, #tpu.memory_space<vmem>>) dst(%dma_wait3A_180 : memref<128x128xf32, #tpu.memory_space<hbm>>)
    %add3A_181 = arith.constant 384 : i32
    %add3A_182 = arith.addi %mul3A_2, %add3A_181 : i32
    %dma_wait3A_183 = arith.constant 0 : i32
    %dma_wait3A_184 = tpu.memref_slice %arg4[%add3A_182, %dma_wait3A_183] : memref<32768x128xf32, #tpu.memory_space<hbm>> -> memref<128x128xf32, #tpu.memory_space<hbm>>
    %dma_wait3A_185 = arith.constant 0 : i32
    %dma_wait3A_186 = tpu.memref_slice %arg4[%add3A_182, %dma_wait3A_185] : memref<32768x128xf32, #tpu.memory_space<hbm>> -> memref<128x128xf32, #tpu.memory_space<hbm>>
    tpu.wait_dma2 semaphore(%arg21 : memref<!tpu.dma_semaphore, #tpu.memory_space<semaphore_mem>>) src(%arg9 : memref<128x128xf32, #tpu.memory_space<vmem>>) dst(%dma_wait3A_186 : memref<128x128xf32, #tpu.memory_space<hbm>>)
    %add3A_187 = arith.constant 512 : i32
    %add3A_188 = arith.addi %mul3A_2, %add3A_187 : i32
    %dma_wait3A_189 = arith.constant 0 : i32
    %dma_wait3A_190 = tpu.memref_slice %arg4[%add3A_188, %dma_wait3A_189] : memref<32768x128xf32, #tpu.memory_space<hbm>> -> memref<128x128xf32, #tpu.memory_space<hbm>>
    %dma_wait3A_191 = arith.constant 0 : i32
    %dma_wait3A_192 = tpu.memref_slice %arg4[%add3A_188, %dma_wait3A_191] : memref<32768x128xf32, #tpu.memory_space<hbm>> -> memref<128x128xf32, #tpu.memory_space<hbm>>
    tpu.wait_dma2 semaphore(%arg22 : memref<!tpu.dma_semaphore, #tpu.memory_space<semaphore_mem>>) src(%arg10 : memref<128x128xf32, #tpu.memory_space<vmem>>) dst(%dma_wait3A_192 : memref<128x128xf32, #tpu.memory_space<hbm>>)
    %add3A_193 = arith.constant 640 : i32
    %add3A_194 = arith.addi %mul3A_2, %add3A_193 : i32
    %dma_wait3A_195 = arith.constant 0 : i32
    %dma_wait3A_196 = tpu.memref_slice %arg4[%add3A_194, %dma_wait3A_195] : memref<32768x128xf32, #tpu.memory_space<hbm>> -> memref<128x128xf32, #tpu.memory_space<hbm>>
    %dma_wait3A_197 = arith.constant 0 : i32
    %dma_wait3A_198 = tpu.memref_slice %arg4[%add3A_194, %dma_wait3A_197] : memref<32768x128xf32, #tpu.memory_space<hbm>> -> memref<128x128xf32, #tpu.memory_space<hbm>>
    tpu.wait_dma2 semaphore(%arg23 : memref<!tpu.dma_semaphore, #tpu.memory_space<semaphore_mem>>) src(%arg11 : memref<128x128xf32, #tpu.memory_space<vmem>>) dst(%dma_wait3A_198 : memref<128x128xf32, #tpu.memory_space<hbm>>)
    %add3A_199 = arith.constant 768 : i32
    %add3A_200 = arith.addi %mul3A_2, %add3A_199 : i32
    %dma_wait3A_201 = arith.constant 0 : i32
    %dma_wait3A_202 = tpu.memref_slice %arg4[%add3A_200, %dma_wait3A_201] : memref<32768x128xf32, #tpu.memory_space<hbm>> -> memref<128x128xf32, #tpu.memory_space<hbm>>
    %dma_wait3A_203 = arith.constant 0 : i32
    %dma_wait3A_204 = tpu.memref_slice %arg4[%add3A_200, %dma_wait3A_203] : memref<32768x128xf32, #tpu.memory_space<hbm>> -> memref<128x128xf32, #tpu.memory_space<hbm>>
    tpu.wait_dma2 semaphore(%arg18 : memref<!tpu.dma_semaphore, #tpu.memory_space<semaphore_mem>>) src(%arg6 : memref<128x128xf32, #tpu.memory_space<vmem>>) dst(%dma_wait3A_204 : memref<128x128xf32, #tpu.memory_space<hbm>>)
    %add3A_205 = arith.constant 896 : i32
    %add3A_206 = arith.addi %mul3A_2, %add3A_205 : i32
    %dma_wait3A_207 = arith.constant 0 : i32
    %dma_wait3A_208 = tpu.memref_slice %arg4[%add3A_206, %dma_wait3A_207] : memref<32768x128xf32, #tpu.memory_space<hbm>> -> memref<128x128xf32, #tpu.memory_space<hbm>>
    %dma_wait3A_209 = arith.constant 0 : i32
    %dma_wait3A_210 = tpu.memref_slice %arg4[%add3A_206, %dma_wait3A_209] : memref<32768x128xf32, #tpu.memory_space<hbm>> -> memref<128x128xf32, #tpu.memory_space<hbm>>
    tpu.wait_dma2 semaphore(%arg19 : memref<!tpu.dma_semaphore, #tpu.memory_space<semaphore_mem>>) src(%arg7 : memref<128x128xf32, #tpu.memory_space<vmem>>) dst(%dma_wait3A_210 : memref<128x128xf32, #tpu.memory_space<hbm>>)
    return
  }
}

module attributes {stable_mosaic.version = 14 : i64} {
  func.func @_tc_mlp_kernel(%arg0: i32, %arg1: memref<2048x128xf32, #tpu.memory_space<vmem>>, %arg2: memref<2048x128xf32, #tpu.memory_space<vmem>>, %arg3: memref<128x128xf32, #tpu.memory_space<vmem>>, %arg4: memref<128x128xf32, #tpu.memory_space<vmem>>, %arg5: memref<1x128xf32, #tpu.memory_space<vmem>>, %arg6: memref<128x128xf32, #tpu.memory_space<vmem>>, %arg7: memref<1x128xf32, #tpu.memory_space<vmem>>, %arg8: memref<1x128xf32, #tpu.memory_space<vmem>>, %arg9: memref<1x1xf32, #tpu.memory_space<vmem>>, %arg10: memref<1x2048xf32, #tpu.memory_space<vmem>>) attributes {dimension_semantics = [#tpu.dimension_semantics<arbitrary>], iteration_bounds = array<i64: 8>, scalar_prefetch = 0 : i64, scratch_operands = 0 : i64, tpu.core_type = #tpu.core_type<tc>, window_params = [{transform_indices = @transform_0, window_bounds = array<i64: 2048, 128>}, {transform_indices = @transform_1, window_bounds = array<i64: 2048, 128>}, {pipeline_mode = #tpu.pipeline_mode<synchronous>, transform_indices = @transform_2, window_bounds = array<i64: 128, 128>}, {pipeline_mode = #tpu.pipeline_mode<synchronous>, transform_indices = @transform_3, window_bounds = array<i64: 128, 128>}, {pipeline_mode = #tpu.pipeline_mode<synchronous>, transform_indices = @transform_4, window_bounds = array<i64: 1, 128>}, {pipeline_mode = #tpu.pipeline_mode<synchronous>, transform_indices = @transform_5, window_bounds = array<i64: 128, 128>}, {pipeline_mode = #tpu.pipeline_mode<synchronous>, transform_indices = @transform_6, window_bounds = array<i64: 1, 128>}, {pipeline_mode = #tpu.pipeline_mode<synchronous>, transform_indices = @transform_7, window_bounds = array<i64: 1, 128>}, {pipeline_mode = #tpu.pipeline_mode<synchronous>, transform_indices = @transform_8, window_bounds = array<i64: 1, 1>}, {transform_indices = @transform_9, window_bounds = array<i64: 1, 2048>}]} {
    %get3A = arith.constant 0 : index
    %get3A_0 = arith.constant 0 : index
    %get3A_1 = vector.load %arg1[%get3A, %get3A_0] : memref<2048x128xf32, #tpu.memory_space<vmem>>, vector<2048x128xf32>
    %get3A_2 = arith.constant 0 : index
    %get3A_3 = arith.constant 0 : index
    %get3A_4 = vector.load %arg3[%get3A_2, %get3A_3] : memref<128x128xf32, #tpu.memory_space<vmem>>, vector<128x128xf32>
    %dot_general3A = arith.constant dense<0.000000e+00> : vector<2048x128xf32>
    %dot_general3A_5 = tpu.matmul %get3A_1, %get3A_4, %dot_general3A {dimension_numbers = #tpu.dot_dimension_numbers<[1], [0], [0], [1], [0, 0, 1, 1], [], []>, transpose_lhs_hint = false} : vector<2048x128xf32>, vector<128x128xf32>, vector<2048x128xf32> -> vector<2048x128xf32>
    %get3A_6 = arith.constant 0 : index
    %get3A_7 = arith.constant 0 : index
    %get3A_8 = vector.load %arg2[%get3A_6, %get3A_7] : memref<2048x128xf32, #tpu.memory_space<vmem>>, vector<2048x128xf32>
    %get3A_9 = arith.constant 0 : index
    %get3A_10 = arith.constant 0 : index
    %get3A_11 = vector.load %arg4[%get3A_9, %get3A_10] : memref<128x128xf32, #tpu.memory_space<vmem>>, vector<128x128xf32>
    %dot_general3A_12 = arith.constant dense<0.000000e+00> : vector<2048x128xf32>
    %dot_general3A_13 = tpu.matmul %get3A_8, %get3A_11, %dot_general3A_12 {dimension_numbers = #tpu.dot_dimension_numbers<[1], [0], [0], [1], [0, 0, 1, 1], [], []>, transpose_lhs_hint = false} : vector<2048x128xf32>, vector<128x128xf32>, vector<2048x128xf32> -> vector<2048x128xf32>
    %add3A = arith.addf %dot_general3A_5, %dot_general3A_13 : vector<2048x128xf32>
    %get3A_14 = arith.constant 0 : index
    %get3A_15 = arith.constant 0 : index
    %get3A_16 = vector.load %arg5[%get3A_14, %get3A_15] : memref<1x128xf32, #tpu.memory_space<vmem>>, vector<1x128xf32>
    %add3A_17 = vector.broadcast %get3A_16 : vector<1x128xf32> to vector<2048x128xf32>
    %add3A_18 = arith.addf %add3A, %add3A_17 : vector<2048x128xf32>
    %max3A = arith.constant 0.000000e+00 : f32
    %max3A_19 = vector.broadcast %max3A : f32 to vector<2048x128xf32>
    %max3A_20 = arith.maximumf %add3A_18, %max3A_19 : vector<2048x128xf32>
    %get3A_21 = arith.constant 0 : index
    %get3A_22 = arith.constant 0 : index
    %get3A_23 = vector.load %arg6[%get3A_21, %get3A_22] : memref<128x128xf32, #tpu.memory_space<vmem>>, vector<128x128xf32>
    %dot_general3A_24 = arith.constant dense<0.000000e+00> : vector<2048x128xf32>
    %dot_general3A_25 = tpu.matmul %max3A_20, %get3A_23, %dot_general3A_24 {dimension_numbers = #tpu.dot_dimension_numbers<[1], [0], [0], [1], [0, 0, 1, 1], [], []>, transpose_lhs_hint = false} : vector<2048x128xf32>, vector<128x128xf32>, vector<2048x128xf32> -> vector<2048x128xf32>
    %get3A_26 = arith.constant 0 : index
    %get3A_27 = arith.constant 0 : index
    %get3A_28 = vector.load %arg7[%get3A_26, %get3A_27] : memref<1x128xf32, #tpu.memory_space<vmem>>, vector<1x128xf32>
    %add3A_29 = vector.broadcast %get3A_28 : vector<1x128xf32> to vector<2048x128xf32>
    %add3A_30 = arith.addf %dot_general3A_25, %add3A_29 : vector<2048x128xf32>
    %max3A_31 = arith.constant 0.000000e+00 : f32
    %max3A_32 = vector.broadcast %max3A_31 : f32 to vector<2048x128xf32>
    %max3A_33 = arith.maximumf %add3A_30, %max3A_32 : vector<2048x128xf32>
    %get3A_34 = arith.constant 0 : index
    %get3A_35 = arith.constant 0 : index
    %get3A_36 = vector.load %arg8[%get3A_34, %get3A_35] : memref<1x128xf32, #tpu.memory_space<vmem>>, vector<1x128xf32>
    %dot_general3A_37 = arith.constant dense<0.000000e+00> : vector<1x2048xf32>
    %dot_general3A_38 = tpu.matmul %get3A_36, %max3A_33, %dot_general3A_37 {dimension_numbers = #tpu.dot_dimension_numbers<[1], [1], [0], [0], [0, 0, 1, 0], [], []>, transpose_lhs_hint = false} : vector<1x128xf32>, vector<2048x128xf32>, vector<1x2048xf32> -> vector<1x2048xf32>
    %get3A_39 = arith.constant 0 : index
    %get3A_40 = arith.constant 0 : index
    %get3A_41 = vector.load %arg9[%get3A_39, %get3A_40] : memref<1x1xf32, #tpu.memory_space<vmem>>, vector<1x1xf32>
    %add3A_42 = vector.broadcast %get3A_41 : vector<1x1xf32> to vector<1x2048xf32>
    %add3A_43 = arith.addf %dot_general3A_38, %add3A_42 : vector<1x2048xf32>
    %swap3A = arith.constant 0 : index
    %swap3A_44 = arith.constant 0 : index
    %swap3A_45 = vector.load %arg10[%swap3A, %swap3A_44] : memref<1x2048xf32, #tpu.memory_space<vmem>>, vector<1x2048xf32>
    tpu.vector_store %arg10[%swap3A, %swap3A_44], %add3A_43 {strides = array<i32>} : memref<1x2048xf32, #tpu.memory_space<vmem>>, vector<1x2048xf32>,
    return
  }
  func.func @transform_0(%arg0: i32) -> (i32, i32) {
    %c0_i32 = arith.constant 0 : i32
    %c0_i32_0 = arith.constant 0 : i32
    return %arg0, %c0_i32 : i32, i32
  }
  func.func @transform_1(%arg0: i32) -> (i32, i32) {
    %add3A = arith.constant 8 : i32
    %add3A_0 = arith.addi %arg0, %add3A : i32
    %c0_i32 = arith.constant 0 : i32
    %c0_i32_1 = arith.constant 0 : i32
    return %add3A_0, %c0_i32 : i32, i32
  }
  func.func @transform_2(%arg0: i32) -> (i32, i32) {
    %c0_i32 = arith.constant 0 : i32
    %c0_i32_0 = arith.constant 0 : i32
    %c0_i32_1 = arith.constant 0 : i32
    return %c0_i32, %c0_i32_0 : i32, i32
  }
  func.func @transform_3(%arg0: i32) -> (i32, i32) {
    %c0_i32 = arith.constant 0 : i32
    %c0_i32_0 = arith.constant 0 : i32
    %c0_i32_1 = arith.constant 0 : i32
    return %c0_i32, %c0_i32_0 : i32, i32
  }
  func.func @transform_4(%arg0: i32) -> (i32, i32) {
    %c0_i32 = arith.constant 0 : i32
    %c0_i32_0 = arith.constant 0 : i32
    %c0_i32_1 = arith.constant 0 : i32
    return %c0_i32, %c0_i32_0 : i32, i32
  }
  func.func @transform_5(%arg0: i32) -> (i32, i32) {
    %c0_i32 = arith.constant 0 : i32
    %c0_i32_0 = arith.constant 0 : i32
    %c0_i32_1 = arith.constant 0 : i32
    return %c0_i32, %c0_i32_0 : i32, i32
  }
  func.func @transform_6(%arg0: i32) -> (i32, i32) {
    %c0_i32 = arith.constant 0 : i32
    %c0_i32_0 = arith.constant 0 : i32
    %c0_i32_1 = arith.constant 0 : i32
    return %c0_i32, %c0_i32_0 : i32, i32
  }
  func.func @transform_7(%arg0: i32) -> (i32, i32) {
    %c0_i32 = arith.constant 0 : i32
    %c0_i32_0 = arith.constant 0 : i32
    %c0_i32_1 = arith.constant 0 : i32
    return %c0_i32, %c0_i32_0 : i32, i32
  }
  func.func @transform_8(%arg0: i32) -> (i32, i32) {
    %c0_i32 = arith.constant 0 : i32
    %c0_i32_0 = arith.constant 0 : i32
    %c0_i32_1 = arith.constant 0 : i32
    return %c0_i32, %c0_i32_0 : i32, i32
  }
  func.func @transform_9(%arg0: i32) -> (i32, i32) {
    %c0_i32 = arith.constant 0 : i32
    %c0_i32_0 = arith.constant 0 : i32
    return %c0_i32, %arg0 : i32, i32
  }
}

</mosaic_0001>

<sc_bundles>
// kernel: kernel.4.cloned.1.call-start
scs
__scs_entry_jumppad:
0x0: {  	(pc) =	sbr.rel $0x88, $3  }
0x1: {  	(tag) =	ssettag $0x0;
	lr =	simm.s32 $0x1  }
0x2: {  	[smem:$0x3F99] =	sst lr;
	_ =	strace $0xD0000000  }
0x3: {  	_ = 	snop  }
0x4: {  	_ = 	snop  }
0x5: {  	_ = 	snop  }
0x6: {  	_ = 	snop  }
0x7: {  	_ = 	snop  }
__scs_overlays_trampoline_lowered:
0x8: {  	[smem:$0x3FA8] =	sst s0  }
0x9: {  	[smem:$0x3FA9] =	sst s1  }
0xa: {  	[smem:$0x3FAA] =	sst s2  }
0xb: {  	[smem:$0x3FAB] =	sst s3  }
0xc: {  	[smem:$0x3FAC] =	sst s4  }
0xd: {  	[smem:$0x3FAD] =	sst s5  }
0xe: {  	[smem:$0x3FAE] =	sst s6  }
0xf: {  	[smem:$0x3FAF] =	sst s7  }
0x10: {  	[smem:$0x3FB0] =	sst s8  }
0x11: {  	[smem:$0x3FB1] =	sst s9;
	s0 =	simm.s32 @!p0 $0x0  }
0x12: {  	s1 =	sld [smem:$0x3F97];
	s0 =	simm.s32 @p0 $0x1  }
0x13: {  	[smem:$0x3FB2] =	sst s0;
	s0 =	simm.s32 @!p1 $0x0  }
0x14: {  	s2 =	sld [smem:$0x3F96];
	s0 =	simm.s32 @p1 $0x1  }
0x15: {  	[smem:$0x3FB3] =	sst s0;
	s0 =	simm.s32 @!p2 $0x0  }
0x16: {  	s3 =	sld [smem:$0x3FDB];
	s0 =	simm.s32 @p2 $0x1  }
0x17: {  	s4 =	simm.s32 $0x1BF5;
	[smem:$0x3FB5] =	sst s0  }
0x18: {  	s0 =	sld [smem:$0x3F98];
	_ =	swait.ge [sflag:s4], $0x0  }
0x19: {  	s7 =	sld [smem:$0x3F99]  }
0x1a: {  	s8 =	sadd.s32 $0xFFFFE003, lr  }
0x1b: {  	s9 =	sadd.s32 $0xFFFFFEF7, lr;
	s5 =	simm.s32 $0xFFFFFFFF;
	p2 =	slt.u32 s8, $0xFFFFF086  }
0x1c: {  	p1 =	slt.u32 s9, $0xF7A;
	s5 =	simm.s32 @!p2 $0x0  }
0x1d: {  	s5 =	simm.s32 @p1 $0x1;
	p0 =	seq.s32 s7, s2  }
0x1e: {  	s7 =	smul.u32 @!p0 $0xF7A, s2;
	p2 =	seq.s32 @!p0 s5, $0x0  }
0x1f: {  	s9 =	smul.u32 $0xF7A, s1;
	s8 =	simm.s32 @!p0 $0x1BF5;
	p2 =	por !p2, p0  }
0x20: {  	[sflag:s8] =	ssyncset.s32 @!p0 $0xFFFFF086;
	s6 =	sadd.s32 @!p0 s3, s7;
	s7 =	simm.s32 @!p0 $0x108  }
0x21: {  	s3 =	sadd.s32 s3, s9;
	s6 =	sadd.s32 @!p0 $0x88, s6;
	s7 =	simm.s32 @p2 $0x1082  }
0x22: {  	[simem:s7], [sflag:s8] =	dma.local @!p0 [hbm:s6], $0xF7A  }
0x23: {  	s9 =	sor.u32 $0xD0000000, s2;
	s6 =	simm.s32 $0x108;
	_ =	swait.ge @!p0 [sflag:s8], $0x0  }
0x24: {  	s3 =	sadd.s32 $0x88, s3;
	s6 =	simm.s32 @!p1 $0x1082;
	[sflag:s4] =	ssyncset.s32 $0xFFFFF086  }
0x25: {  	[simem:s6], [sflag:s4] =	dma.local [hbm:s3], $0xF7A  }
0x26: {  	[smem:$0x3F99] =	sst s1;
	(tag) =	ssettag s2;
	_ =	strace s9  }
0x27: {  	s1 =	sld [smem:$0x3FA9]  }
0x28: {  	s2 =	sld [smem:$0x3FAA]  }
0x29: {  	s4 =	sld [smem:$0x3FAC]  }
0x2a: {  	p0 =	seq.s32 s5, $0x0;
	s5 =	sld [smem:$0x3FAD]  }
0x2b: {  	s6 =	sld [smem:$0x3FAE]  }
0x2c: {  	s7 =	sld [smem:$0x3FAF]  }
0x2d: {  	s3 =	simm.s32 $0x108;
	s8 =	sld [smem:$0x3FB0]  }
0x2e: {  	s3 =	simm.s32 @!p0 $0x1082;
	s9 =	sld [smem:$0x3FB1]  }
0x2f: {  	lr =	sadd.s32 s0, s3;
	s0 =	sld [smem:$0x3FA8]  }
0x30: {  	s3 =	sld [smem:$0x3FAB]  }
0x31: {  	[smem:$0x3FB4] =	sst s10  }
0x32: {  	s10 =	sld [smem:$0x3FB2];
	_ =	sdelay $0x3  }
0x33: {  	p0 =	seq.s32 s10, $0x1;
	s10 =	sld [smem:$0x3FB4];
	_ =	sdelay $0x3  }
0x34: {  	[smem:$0x3FB4] =	sst s10  }
0x35: {  	s10 =	sld [smem:$0x3FB3];
	_ =	sdelay $0x3  }
0x36: {  	p1 =	seq.s32 s10, $0x1;
	s10 =	sld [smem:$0x3FB4];
	_ =	sdelay $0x3  }
0x37: {  	[smem:$0x3FB4] =	sst s10  }
0x38: {  	s10 =	sld [smem:$0x3FB5]  }
0x39: {  	_ = 	snop;
	(pc) =	sbr.ind lr, $3  }
0x3a: {  	_ = 	snop  }
0x3b: {  	_ = 	snop  }
0x3c: {  	p2 =	seq.s32 s10, $0x1;
	s10 =	sld [smem:$0x3FB4]  }
0x3d: {  	_ =	shalt  }
0x3e: {  	_ =	shalt  }
0x3f: {  	_ =	shalt  }
0x40: {  	_ =	shalt  }
0x41: {  	_ =	shalt  }
0x42: {  	_ =	shalt  }
0x43: {  	_ =	shalt  }
0x44: {  	_ =	shalt  }
0x45: {  	_ =	shalt  }
0x46: {  	_ =	shalt  }
0x47: {  	_ =	shalt  }
0x48: {  	_ =	shalt  }
0x49: {  	_ =	shalt  }
0x4a: {  	_ =	shalt  }
0x4b: {  	_ =	shalt  }
0x4c: {  	_ =	shalt  }
0x4d: {  	_ =	shalt  }
0x4e: {  	_ =	shalt  }
0x4f: {  	_ =	shalt  }
0x50: {  	_ =	shalt  }
0x51: {  	_ =	shalt  }
0x52: {  	_ =	shalt  }
0x53: {  	_ =	shalt  }
0x54: {  	_ =	shalt  }
0x55: {  	_ =	shalt  }
0x56: {  	_ =	shalt  }
0x57: {  	_ =	shalt  }
0x58: {  	_ =	shalt  }
0x59: {  	_ =	shalt  }
0x5a: {  	_ =	shalt  }
0x5b: {  	_ =	shalt  }
0x5c: {  	_ =	shalt  }
0x5d: {  	_ =	shalt  }
0x5e: {  	_ =	shalt  }
0x5f: {  	_ =	shalt  }
0x60: {  	_ =	shalt  }
0x61: {  	_ =	shalt  }
0x62: {  	_ =	shalt  }
0x63: {  	_ =	shalt  }
0x64: {  	_ =	shalt  }
0x65: {  	_ =	shalt  }
0x66: {  	_ =	shalt  }
0x67: {  	_ =	shalt  }
0x68: {  	_ =	shalt  }
0x69: {  	_ =	shalt  }
0x6a: {  	_ =	shalt  }
0x6b: {  	_ =	shalt  }
0x6c: {  	_ =	shalt  }
0x6d: {  	_ =	shalt  }
0x6e: {  	_ =	shalt  }
0x6f: {  	_ =	shalt  }
0x70: {  	_ =	shalt  }
0x71: {  	_ =	shalt  }
0x72: {  	_ =	shalt  }
0x73: {  	_ =	shalt  }
0x74: {  	_ =	shalt  }
0x75: {  	_ =	shalt  }
0x76: {  	_ =	shalt  }
0x77: {  	_ =	shalt  }
0x78: {  	_ =	shalt  }
0x79: {  	_ =	shalt  }
0x7a: {  	_ =	shalt  }
0x7b: {  	_ =	shalt  }
0x7c: {  	_ =	shalt  }
0x7d: {  	_ =	shalt  }
0x7e: {  	_ =	shalt  }
0x7f: {  	_ =	shalt  }
0x80: {  	_ =	shalt  }
0x81: {  	_ =	shalt  }
0x82: {  	_ =	shalt  }
0x83: {  	_ =	shalt  }
0x84: {  	_ =	shalt  }
0x85: {  	_ =	shalt  }
0x86: {  	_ =	shalt  }
0x87: {  	_ =	shalt  }
.Lfunc_end0:
.L_simem_size_0:
called_computation_lowered:
.L_overlay_start_0:
0x88: {  	s2 =	sld [smem:$0x3FD9]  }
0x89: {  	s3 =	sld [smem:$0x3FFE];
	_ =	sdelay $0x1  }
0x8a: {  	s1 =	srdreg.scid  }
0x8b: {  	s0 =	sand.u32 $0x1, s1  }
0x8c: {  	s17 =	sshll.u32 s0, $0xA;
	s2 =	sadd.s32 s3, s2  }
0x8d: {  	s2 =	sadd.s32 s2, s17  }
0x8e: {  	[smem:$0x3FC0] =	sst s2  }
0x8f: {  	_ = 	snop  }
0x90: {  	s2 =	sld [smem:$0x3FC8];
	(tm) =	ssettm $0x1  }
0x91: {  	s18 =	sld [smem:$0x3FFB];
	_ =	sdelay $0x3  }
0x92: {  	_ =	strace s18  }
0x93: {  	s3 =	sld [smem:$0x3FFC];
	_ =	sdelay $0x3  }
0x94: {  	_ =	strace s3  }
0x95: {  	s3 =	sld [smem:$0x3FFD];
	_ =	sdelay $0x3  }
0x96: {  	_ =	strace s3  }
0x97: {  	_ =	strace $0x8FFFFFFF  }
0x98: {  	s19 =	sld [smem:$0x3FDB];
	_ =	sdelay $0x1  }
0x99: {  	s4 =	simm.s32 $_scs_section_size  }
0x9a: {  	s5 =	simm.s32 $_size__tile_overlayer_lowered;
	s6 =	simm.s32 $_tile_overlayer_lowered  }
0x9b: {  	s22 =	simm.s32 $0x1BFF;
	s21 =	sshll.u32 s6, $0x1;
	s3 =	sadd.s32 s4, s19  }
0x9c: {  	s7 =	simm.s32 $0x0;
	s20 =	sshll.u32 s5, $0x1;
	s5 =	sadd.s32 s21, s3  }
0x9d: {  	[timem:s7], [sflag:s22] =	dma.local [hbm:s5], s20  }
0x9e: {  	_ =	swait.ge [sflag:s22], s20  }
0x9f: {  	s4 =	ssub.s32 $0x0, s20;
	[sflag:s22] =	ssyncset.done $0x0  }
0xa0: {  	[sflag:s22] =	ssyncadd.s32 s4;
	_ =	sdelay $0x1  }
0xa1: {  	s23 =	simm.s32 $0x1B8B  }
0xa2: {  	_ =	swait.ge [sflag:s23], $0x1  }
0xa3: {  	[sflag:s23] =	ssyncset.done $0x0  }
0xa4: {  	s25 =	simm.s32 $0x1B8E;
	s24 =	sld [smem:$0x3FFE];
	[sflag:s23] =	ssyncadd.s32 $0xFFFFFFFF  }
0xa5: {  	s26 =	simm.s32 $execute0_lowered;
	[smem:$0x3FD2] =	sst s25  }
0xa6: {  	s5 =	sshll.u32 s26, $0x1;
	_ =	strace $0x80000046;
	[dreg:$0x1] =	wrdreg $0xFFFFFFFF  }
0xa7: {  	s28 =	simm.s32 $_size_execute0_lowered;
	s3 =	sadd.s32 s3, s5;
	[dreg:$0x0] =	wrdreg $0x0  }
0xa8: {  	s5 =	sshll.u32 s28, $0x1;
	[dreg:$0x2] =	wrdreg s3  }
0xa9: {  	[dreg:$0x3] =	wrdreg s5  }
0xaa: {  	[dreg:$0x4] =	wrdreg $0xC0  }
0xab: {  	_ =	task [dreg:s7], $0x5FFFF  }
0xac: {  	[dreg:$0x1] =	wrdreg $0xFFFFFFFF  }
0xad: {  	[dreg:$0x0] =	wrdreg $0x60  }
0xae: {  	[dreg:$0x2] =	wrdreg s2  }
0xaf: {  	[dreg:$0x3] =	wrdreg s24  }
0xb0: {  	[dreg:$0x4] =	wrdreg $0x9  }
0xb1: {  	_ =	task.clear_ibuf [dreg:s7], $0x5FFFF;
	_ =	strace $0x90000046  }
0xb2: {  	s29 =	simm.s32 $0x9;
	_ =	strace $0x80000048  }
0xb3: {  	_ =	swait.ge [sflag:s29], $0x1  }
0xb4: {  	[sflag:s29] =	ssyncadd.s32 $0xFFFFFFFF  }
0xb5: {  	_ =	strace $0x90000048  }
0xb6: {  	_ =	sfence  }
0xb7: {  	s30 =	sld [smem:$0x0];
	_ =	sdelay $0x2  }
0xb8: {  	s31 =	sshll.u32 s1, $0xD;
	s1 =	sshrl.u32 s1, $0x2  }
0xb9: {  	s3 =	sand.u32 $0x4000, s31;
	s1 =	sadd.s32 s1, s30  }
0xba: {  	s0 =	sor.u32 s3, s0;
	s1 =	sshll.u32 s1, $0x11  }
0xbb: {  	s0 =	sor.u32 s1, s0  }
0xbc: {  	s0 =	sadd.s32 $0x8F2B, s0  }
0xbd: {  	[sflag:s0] =	ssyncadd.remote.s32 $0x1  }
0xbe: {  	_ =	sfence.sel $0xFFFF  }
0xbf: {  	[dreg:$0x0] =	wrdreg $0xFFFFFFFF;
	(pc) =	sbr.abs _section_cstart, $3  }
0xc0: {  	[dreg:$0x1] =	wrdreg $0xFFFFFFFF  }
0xc1: {  	_ =	task.clear_ibuf [dreg:s7], $0x2FFFF;
	_ =	strace $0x9FFFFFFF  }
0xc2: {  	(tm) =	ssettm $0x7FFFFFFF  }
0xc3: {  	_ =	shalt  }
tec
execute0_lowered:
.L_overlay_start_1:
0x0: {  	(tag) =	ssettag $0x1  }
0x1: {  	s0 =	srdreg.scid  }
0x2: {  	s1 =	stileid.u32;
	s3 =	rddreg [dreg:$0x0]  }
0x3: {  	s4 =	rddreg [dreg:$0x1];
	s2 =	simm.s32 $0x0;
	s30 =	simm.s32 $0xD  }
0x4: {  	s11 =	simm.s32 $0x80;
	s8 =	simm.s32 $0x400;
	s7 =	simm.s32 $0x4400  }
0x5: {  	s31 =	simm.s32 $0x100;
	s10 =	simm.s32 $0x1;
	s29 =	simm.s32 $0x180  }
0x6: {  	s9 =	simm.s32 $0x2;
	s28 =	simm.s32 $0x200;
	s17 =	simm.s32 $0x10400  }
0x7: {  	s16 =	simm.s32 $0x14400;
	s6 =	simm.s32 $0x8;
	p0 =	por $0x0, $0x0  }
0x8: {  	s15 =	simm.s32 $0x9;
	s0 =	sand.u32 $0x1, s0;
	s1 =	sshll.u32 s1, $0x1  }
0x9: {  	s14 =	simm.s32 $0xA;
	s13 =	simm.s32 $0xB;
	s1 =	sor.u32 s0, s1  }
0xa: {  	s12 =	simm.s32 $0xC;
	[smem:$0x7FF] =	sst s2;
	s5 =	sshll.u32 s1, $0x7  }
0xb: {  	_ =	strace $0x80000047;
	s1 =	sshll.u32 s1, $0xE;
	s5 =	sadd.s32 s5, s4  }
0xc: {  	s0 =	ssub.s32 $0x2, s0;
	s1 =	sadd.s32 s1, s4;
	s18 =	sadd.s32 $0x1200, s5  }
0xd: {  	s24 =	sshrl.u32 s0, $0x1;
	s19 =	sadd.s32 $0x2200, s1;
	[dreg:$0x3] =	wrdreg s18  }
0xe: {  	s0 =	ssub.s32 s0, s24;
	s20 =	sadd.s32 $0x2A00, s1;
	[dreg:$0x4] =	wrdreg s19  }
0xf: {  	s24 =	simm.s32 $0x4;
	s21 =	sadd.s32 $0x3200, s1;
	[dreg:$0x5] =	wrdreg s20  }
0x10: {  	s22 =	sadd.s32 $0x3A00, s1;
	s23 =	sadd.s32 $0x4200, s1;
	[dreg:$0x6] =	wrdreg s21  }
0x11: {  	s25 =	sadd.s32 $0x4A00, s1;
	s0 =	smax.u32 s0, $0x1;
	[dreg:$0x7] =	wrdreg s22  }
0x12: {  	s26 =	sadd.s32 $0x5200, s1;
	[dreg:$0x8] =	wrdreg s23;
	p1 =	sne.s32 s0, $0x1  }
.Ltmp0:
0x13: {  	s4 =	sadd.s32 $0x5A00, s1;
	[dreg:$0x9] =	wrdreg s25;
	(pc) =	sbr.rel @!p1 .LBB2_3-.Ltmp0, $4  }
0x14: {  	s5 =	simm.s32 $0x7;
	[dreg:$0xa] =	wrdreg s26;
	s22 =	simm.s32 $0x8400  }
0x15: {  	s19 =	simm.s32 $0xC400;
	s26 =	simm.s32 $0x3;
	s25 =	simm.s32 $0x280  }
0x16: {  	s23 =	simm.s32 $0x300;
	s20 =	simm.s32 $0x5;
	s1 =	sadd.s32 $0xFFFFFFFF, s0  }
0x17: {  	s21 =	simm.s32 $0x380;
	s18 =	simm.s32 $0x6;
	s0 =	rddreg [dreg:$0x3]  }
0x18: {  	[tilespmem:s2], [sflag:$0xD] =	stream.linear.gather [hbm4b:s0+s2], $0x400, $0x38;
	[tilespmem:$0x18400] =	vst v63  }
0x19: {  	_ =	swait.ge [sflag:s30], $0x400  }
0x1a: {  	[sflag:s30] =	ssyncset.done $0x0  }
0x1b: {  	[sflag:s30] =	ssyncadd.s32 $0xFFFFFC00  }
0x1c: {  	[tilespmem:s8], [sflag:$0x1] =	stream.indirect.gather [hbm4b:s3+s11], $0x80, s2, s11, $0xb8;
	[tilespmem:$0x18400] =	vst v63  }
0x1d: {  	_ = 	snop  }
0x1e: {  	[tilespmem:s7], [sflag:$0x2] =	stream.indirect.gather [hbm4b:s3+s11], $0x80, s11, s11, $0xb8;
	[tilespmem:$0x18400] =	vst v63  }
0x1f: {  	_ = 	snop  }
0x20: {  	[tilespmem:s22], [sflag:$0x3] =	stream.indirect.gather [hbm4b:s3+s11], $0x80, s31, s11, $0xb8;
	[tilespmem:$0x18400] =	vst v63  }
0x21: {  	_ =	swait.ge [sflag:s10], $0x4000  }
0x22: {  	[sflag:s10] =	ssyncset.done $0x0  }
0x23: {  	s0 =	rddreg [dreg:$0x4];
	[sflag:s10] =	ssyncadd.s32 $0xFFFFC000  }
0x24: {  	[hbm4b:s0+s2] =	stream.linear.scatter [tilespmem:s8], [sflag:$0x7], $0x4000, $0x38;
	[tilespmem:$0x18400] =	vst v63  }
0x25: {  	_ = 	snop  }
0x26: {  	[tilespmem:s19], [sflag:$0x4] =	stream.indirect.gather [hbm4b:s3+s11], $0x80, s29, s11, $0xb8;
	[tilespmem:$0x18400] =	vst v63  }
0x27: {  	_ =	swait.ge [sflag:s9], $0x4000  }
0x28: {  	[sflag:s9] =	ssyncset.done $0x0  }
0x29: {  	s0 =	rddreg [dreg:$0x5];
	[sflag:s9] =	ssyncadd.s32 $0xFFFFC000  }
0x2a: {  	[hbm4b:s0+s2] =	stream.linear.scatter [tilespmem:s7], [sflag:$0x8], $0x4000, $0x38;
	[tilespmem:$0x18400] =	vst v63  }
0x2b: {  	_ = 	snop  }
0x2c: {  	[tilespmem:s17], [sflag:$0x5] =	stream.indirect.gather [hbm4b:s3+s11], $0x80, s28, s11, $0xb8;
	[tilespmem:$0x18400] =	vst v63  }
0x2d: {  	_ =	swait.ge [sflag:s26], $0x4000  }
0x2e: {  	[sflag:s26] =	ssyncset.done $0x0  }
0x2f: {  	s0 =	rddreg [dreg:$0x6];
	[sflag:s26] =	ssyncadd.s32 $0xFFFFC000  }
0x30: {  	[hbm4b:s0+s2] =	stream.linear.scatter [tilespmem:s22], [sflag:$0x9], $0x4000, $0x38;
	[tilespmem:$0x18400] =	vst v63  }
0x31: {  	_ = 	snop  }
0x32: {  	[tilespmem:s16], [sflag:$0x6] =	stream.indirect.gather [hbm4b:s3+s11], $0x80, s25, s11, $0xb8;
	[tilespmem:$0x18400] =	vst v63  }
0x33: {  	_ =	swait.ge [sflag:s24], $0x4000  }
0x34: {  	[sflag:s24] =	ssyncset.done $0x0  }
0x35: {  	s0 =	rddreg [dreg:$0x7];
	[sflag:s24] =	ssyncadd.s32 $0xFFFFC000  }
0x36: {  	[hbm4b:s0+s2] =	stream.linear.scatter [tilespmem:s19], [sflag:$0xA], $0x4000, $0x38;
	[tilespmem:$0x18400] =	vst v63  }
0x37: {  	_ =	swait.ge [sflag:s5], $0x4000  }
0x38: {  	[sflag:s5] =	ssyncset.done $0x0  }
0x39: {  	[sflag:s5] =	ssyncadd.s32 $0xFFFFC000  }
0x3a: {  	[tilespmem:s8], [sflag:$0x1] =	stream.indirect.gather [hbm4b:s3+s11], $0x80, s23, s11, $0xb8;
	[tilespmem:$0x18400] =	vst v63  }
0x3b: {  	_ =	swait.ge [sflag:s20], $0x4000  }
0x3c: {  	[sflag:s20] =	ssyncset.done $0x0  }
0x3d: {  	s0 =	rddreg [dreg:$0x8];
	[sflag:s20] =	ssyncadd.s32 $0xFFFFC000  }
0x3e: {  	[hbm4b:s0+s2] =	stream.linear.scatter [tilespmem:s17], [sflag:$0xB], $0x4000, $0x38;
	[tilespmem:$0x18400] =	vst v63  }
0x3f: {  	_ =	swait.ge [sflag:s6], $0x4000  }
0x40: {  	[sflag:s6] =	ssyncset.done $0x0  }
0x41: {  	[sflag:s6] =	ssyncadd.s32 $0xFFFFC000  }
0x42: {  	[tilespmem:s7], [sflag:$0x2] =	stream.indirect.gather [hbm4b:s3+s11], $0x80, s21, s11, $0xb8;
	[tilespmem:$0x18400] =	vst v63  }
0x43: {  	_ =	swait.ge [sflag:s18], $0x4000  }
0x44: {  	[sflag:s18] =	ssyncset.done $0x0  }
0x45: {  	s0 =	rddreg [dreg:$0x9];
	[sflag:s18] =	ssyncadd.s32 $0xFFFFC000  }
0x46: {  	[hbm4b:s0+s2] =	stream.linear.scatter [tilespmem:s16], [sflag:$0xC], $0x4000, $0x38;
	[tilespmem:$0x18400] =	vst v63  }
0x47: {  	_ =	swait.ge [sflag:s10], $0x4000  }
0x48: {  	[sflag:s10] =	ssyncset.done $0x0  }
0x49: {  	s0 =	rddreg [dreg:$0xa];
	[sflag:s10] =	ssyncadd.s32 $0xFFFFC000  }
0x4a: {  	[hbm4b:s0+s2] =	stream.linear.scatter [tilespmem:s8], [sflag:$0x7], $0x4000, $0x38;
	[tilespmem:$0x18400] =	vst v63  }
0x4b: {  	_ =	swait.ge [sflag:s9], $0x4000  }
0x4c: {  	[sflag:s9] =	ssyncset.done $0x0  }
0x4d: {  	[sflag:s9] =	ssyncadd.s32 $0xFFFFC000  }
0x4e: {  	[hbm4b:s4+s2] =	stream.linear.scatter [tilespmem:s7], [sflag:$0x8], $0x4000, $0x38;
	[tilespmem:$0x18400] =	vst v63  }
0x4f: {  	_ =	swait.ge [sflag:s15], $0x4000  }
0x50: {  	[sflag:s15] =	ssyncset.done $0x0  }
0x51: {  	[sflag:s15] =	ssyncadd.s32 $0xFFFFC000  }
0x52: {  	_ =	swait.ge [sflag:s14], $0x4000  }
0x53: {  	[sflag:s14] =	ssyncset.done $0x0  }
0x54: {  	[sflag:s14] =	ssyncadd.s32 $0xFFFFC000  }
0x55: {  	_ =	swait.ge [sflag:s13], $0x4000  }
0x56: {  	[sflag:s13] =	ssyncset.done $0x0  }
0x57: {  	[sflag:s13] =	ssyncadd.s32 $0xFFFFC000  }
0x58: {  	_ =	swait.ge [sflag:s12], $0x4000  }
0x59: {  	[sflag:s12] =	ssyncset.done $0x0  }
0x5a: {  	p1 =	sne.s32 s1, $0x1;
	[sflag:s12] =	ssyncadd.s32 $0xFFFFC000  }
.Ltmp1:
0x5b: {  	_ =	swait.ge [sflag:s5], $0x4000;
	(pc) =	sbr.rel @!p1 .LBB2_3-.Ltmp1, $4  }
0x5c: {  	[sflag:s5] =	ssyncset.done $0x0  }
0x5d: {  	[sflag:s5] =	ssyncadd.s32 $0xFFFFC000  }
0x5e: {  	s1 =	sadd.s32 $0xFFFFFFFF, s1;
	_ =	swait.ge [sflag:s6], $0x4000  }
0x5f: {  	p0 =	por $0x1, $0x1;
	s0 =	rddreg [dreg:$0x3];
	[sflag:s6] =	ssyncset.done $0x0  }
.LBB2_2:
0x60: {  	[sflag:s6] =	ssyncadd.s32 $0xFFFFC000  }
0x61: {  	[tilespmem:s2], [sflag:$0xD] =	stream.linear.gather [hbm4b:s0+s2], $0x400, $0x38;
	[tilespmem:$0x18400] =	vst v63  }
0x62: {  	_ =	swait.ge [sflag:s30], $0x400  }
0x63: {  	[sflag:s30] =	ssyncset.done $0x0  }
0x64: {  	[sflag:s30] =	ssyncadd.s32 $0xFFFFFC00  }
0x65: {  	[tilespmem:s8], [sflag:$0x1] =	stream.indirect.gather [hbm4b:s3+s11], $0x80, s2, s11, $0xb8;
	[tilespmem:$0x18400] =	vst v63  }
0x66: {  	_ = 	snop  }
0x67: {  	[tilespmem:s7], [sflag:$0x2] =	stream.indirect.gather [hbm4b:s3+s11], $0x80, s11, s11, $0xb8;
	[tilespmem:$0x18400] =	vst v63  }
0x68: {  	_ = 	snop  }
0x69: {  	[tilespmem:s22], [sflag:$0x3] =	stream.indirect.gather [hbm4b:s3+s11], $0x80, s31, s11, $0xb8;
	[tilespmem:$0x18400] =	vst v63  }
0x6a: {  	_ =	swait.ge [sflag:s10], $0x4000  }
0x6b: {  	[sflag:s10] =	ssyncset.done $0x0  }
0x6c: {  	s0 =	rddreg [dreg:$0x4];
	[sflag:s10] =	ssyncadd.s32 $0xFFFFC000  }
0x6d: {  	[hbm4b:s0+s2] =	stream.linear.scatter [tilespmem:s8], [sflag:$0x7], $0x4000, $0x38;
	[tilespmem:$0x18400] =	vst v63  }
0x6e: {  	_ = 	snop  }
0x6f: {  	[tilespmem:s19], [sflag:$0x4] =	stream.indirect.gather [hbm4b:s3+s11], $0x80, s29, s11, $0xb8;
	[tilespmem:$0x18400] =	vst v63  }
0x70: {  	_ =	swait.ge [sflag:s9], $0x4000  }
0x71: {  	[sflag:s9] =	ssyncset.done $0x0  }
0x72: {  	s0 =	rddreg [dreg:$0x5];
	[sflag:s9] =	ssyncadd.s32 $0xFFFFC000  }
0x73: {  	[hbm4b:s0+s2] =	stream.linear.scatter [tilespmem:s7], [sflag:$0x8], $0x4000, $0x38;
	[tilespmem:$0x18400] =	vst v63  }
0x74: {  	_ = 	snop  }
0x75: {  	[tilespmem:s17], [sflag:$0x5] =	stream.indirect.gather [hbm4b:s3+s11], $0x80, s28, s11, $0xb8;
	[tilespmem:$0x18400] =	vst v63  }
0x76: {  	_ =	swait.ge [sflag:s26], $0x4000  }
0x77: {  	[sflag:s26] =	ssyncset.done $0x0  }
0x78: {  	s0 =	rddreg [dreg:$0x6];
	[sflag:s26] =	ssyncadd.s32 $0xFFFFC000  }
0x79: {  	[hbm4b:s0+s2] =	stream.linear.scatter [tilespmem:s22], [sflag:$0x9], $0x4000, $0x38;
	[tilespmem:$0x18400] =	vst v63  }
0x7a: {  	_ = 	snop  }
0x7b: {  	[tilespmem:s16], [sflag:$0x6] =	stream.indirect.gather [hbm4b:s3+s11], $0x80, s25, s11, $0xb8;
	[tilespmem:$0x18400] =	vst v63  }
0x7c: {  	_ =	swait.ge [sflag:s24], $0x4000  }
0x7d: {  	[sflag:s24] =	ssyncset.done $0x0  }
0x7e: {  	s0 =	rddreg [dreg:$0x7];
	[sflag:s24] =	ssyncadd.s32 $0xFFFFC000  }
0x7f: {  	[hbm4b:s0+s2] =	stream.linear.scatter [tilespmem:s19], [sflag:$0xA], $0x4000, $0x38;
	[tilespmem:$0x18400] =	vst v63  }
0x80: {  	_ =	swait.ge [sflag:s5], $0x4000  }
0x81: {  	[sflag:s5] =	ssyncset.done $0x0  }
0x82: {  	[sflag:s5] =	ssyncadd.s32 $0xFFFFC000  }
0x83: {  	[tilespmem:s8], [sflag:$0x1] =	stream.indirect.gather [hbm4b:s3+s11], $0x80, s23, s11, $0xb8;
	[tilespmem:$0x18400] =	vst v63  }
0x84: {  	_ =	swait.ge [sflag:s20], $0x4000  }
0x85: {  	[sflag:s20] =	ssyncset.done $0x0  }
0x86: {  	s0 =	rddreg [dreg:$0x8];
	[sflag:s20] =	ssyncadd.s32 $0xFFFFC000  }
0x87: {  	[hbm4b:s0+s2] =	stream.linear.scatter [tilespmem:s17], [sflag:$0xB], $0x4000, $0x38;
	[tilespmem:$0x18400] =	vst v63  }
0x88: {  	_ =	swait.ge [sflag:s6], $0x4000  }
0x89: {  	[sflag:s6] =	ssyncset.done $0x0  }
0x8a: {  	[sflag:s6] =	ssyncadd.s32 $0xFFFFC000  }
0x8b: {  	[tilespmem:s7], [sflag:$0x2] =	stream.indirect.gather [hbm4b:s3+s11], $0x80, s21, s11, $0xb8;
	[tilespmem:$0x18400] =	vst v63  }
0x8c: {  	_ =	swait.ge [sflag:s18], $0x4000  }
0x8d: {  	[sflag:s18] =	ssyncset.done $0x0  }
0x8e: {  	s0 =	rddreg [dreg:$0x9];
	[sflag:s18] =	ssyncadd.s32 $0xFFFFC000  }
0x8f: {  	[hbm4b:s0+s2] =	stream.linear.scatter [tilespmem:s16], [sflag:$0xC], $0x4000, $0x38;
	[tilespmem:$0x18400] =	vst v63  }
0x90: {  	_ =	swait.ge [sflag:s10], $0x4000  }
0x91: {  	[sflag:s10] =	ssyncset.done $0x0  }
0x92: {  	s0 =	rddreg [dreg:$0xa];
	[sflag:s10] =	ssyncadd.s32 $0xFFFFC000  }
0x93: {  	[hbm4b:s0+s2] =	stream.linear.scatter [tilespmem:s8], [sflag:$0x7], $0x4000, $0x38;
	[tilespmem:$0x18400] =	vst v63  }
0x94: {  	_ =	swait.ge [sflag:s9], $0x4000  }
0x95: {  	[sflag:s9] =	ssyncset.done $0x0  }
0x96: {  	[sflag:s9] =	ssyncadd.s32 $0xFFFFC000  }
0x97: {  	[hbm4b:s4+s2] =	stream.linear.scatter [tilespmem:s7], [sflag:$0x8], $0x4000, $0x38;
	[tilespmem:$0x18400] =	vst v63  }
0x98: {  	_ =	swait.ge [sflag:s15], $0x4000  }
0x99: {  	[sflag:s15] =	ssyncset.done $0x0  }
0x9a: {  	[sflag:s15] =	ssyncadd.s32 $0xFFFFC000  }
0x9b: {  	_ =	swait.ge [sflag:s14], $0x4000  }
0x9c: {  	[sflag:s14] =	ssyncset.done $0x0  }
0x9d: {  	[sflag:s14] =	ssyncadd.s32 $0xFFFFC000  }
0x9e: {  	_ =	swait.ge [sflag:s13], $0x4000  }
0x9f: {  	[sflag:s13] =	ssyncset.done $0x0  }
0xa0: {  	[sflag:s13] =	ssyncadd.s32 $0xFFFFC000  }
0xa1: {  	_ =	swait.ge [sflag:s12], $0x4000  }
0xa2: {  	[sflag:s12] =	ssyncset.done $0x0  }
0xa3: {  	p1 =	sne.s32 s1, $0x1;
	[sflag:s12] =	ssyncadd.s32 $0xFFFFC000  }
.Ltmp2:
0xa4: {  	_ =	swait.ge [sflag:s5], $0x4000;
	(pc) =	sbr.rel @p1 .LBB2_2-.Ltmp2, $4  }
0xa5: {  	[sflag:s5] =	ssyncset.done $0x0  }
0xa6: {  	[sflag:s5] =	ssyncadd.s32 $0xFFFFC000  }
0xa7: {  	_ =	swait.ge [sflag:s6], $0x4000  }
0xa8: {  	s1 =	sadd.s32 $0xFFFFFFFF, s1;
	s0 =	rddreg [dreg:$0x3];
	[sflag:s6] =	ssyncset.done $0x0  }
.LBB2_3:
0xa9: {  	[sflag:s6] =	ssyncadd.s32 @p0 $0xFFFFC000  }
0xaa: {  	[tilespmem:s2], [sflag:$0xD] =	stream.linear.gather [hbm4b:s0+s2], $0x400, $0x38;
	[tilespmem:$0x18400] =	vst v63  }
0xab: {  	_ =	swait.ge [sflag:s30], $0x400  }
0xac: {  	[sflag:s30] =	ssyncset.done $0x0  }
0xad: {  	[sflag:s30] =	ssyncadd.s32 $0xFFFFFC00  }
0xae: {  	[tilespmem:s8], [sflag:$0x1] =	stream.indirect.gather [hbm4b:s3+s11], $0x80, s2, s11, $0xb8;
	[tilespmem:$0x18400] =	vst v63  }
0xaf: {  	_ = 	snop  }
0xb0: {  	[tilespmem:s7], [sflag:$0x2] =	stream.indirect.gather [hbm4b:s3+s11], $0x80, s11, s11, $0xb8;
	[tilespmem:$0x18400] =	vst v63  }
0xb1: {  	_ = 	snop  }
0xb2: {  	[tilespmem:s22], [sflag:$0x3] =	stream.indirect.gather [hbm4b:s3+s11], $0x80, s31, s11, $0xb8;
	[tilespmem:$0x18400] =	vst v63  }
0xb3: {  	_ =	swait.ge [sflag:s10], $0x4000  }
0xb4: {  	[sflag:s10] =	ssyncset.done $0x0  }
0xb5: {  	s30 =	rddreg [dreg:$0x4];
	[sflag:s10] =	ssyncadd.s32 $0xFFFFC000  }
0xb6: {  	[hbm4b:s30+s2] =	stream.linear.scatter [tilespmem:s8], [sflag:$0x7], $0x4000, $0x38;
	[tilespmem:$0x18400] =	vst v63  }
0xb7: {  	_ = 	snop  }
0xb8: {  	[tilespmem:s19], [sflag:$0x4] =	stream.indirect.gather [hbm4b:s3+s11], $0x80, s29, s11, $0xb8;
	[tilespmem:$0x18400] =	vst v63  }
0xb9: {  	_ =	swait.ge [sflag:s9], $0x4000  }
0xba: {  	[sflag:s9] =	ssyncset.done $0x0  }
0xbb: {  	s31 =	rddreg [dreg:$0x5];
	[sflag:s9] =	ssyncadd.s32 $0xFFFFC000  }
0xbc: {  	[hbm4b:s31+s2] =	stream.linear.scatter [tilespmem:s7], [sflag:$0x8], $0x4000, $0x38;
	[tilespmem:$0x18400] =	vst v63  }
0xbd: {  	_ = 	snop  }
0xbe: {  	[tilespmem:s17], [sflag:$0x5] =	stream.indirect.gather [hbm4b:s3+s11], $0x80, s28, s11, $0xb8;
	[tilespmem:$0x18400] =	vst v63  }
0xbf: {  	_ =	swait.ge [sflag:s26], $0x4000  }
0xc0: {  	[sflag:s26] =	ssyncset.done $0x0  }
0xc1: {  	s1 =	rddreg [dreg:$0x6];
	[sflag:s26] =	ssyncadd.s32 $0xFFFFC000  }
0xc2: {  	[hbm4b:s1+s2] =	stream.linear.scatter [tilespmem:s22], [sflag:$0x9], $0x4000, $0x38;
	[tilespmem:$0x18400] =	vst v63  }
0xc3: {  	_ = 	snop  }
0xc4: {  	[tilespmem:s16], [sflag:$0x6] =	stream.indirect.gather [hbm4b:s3+s11], $0x80, s25, s11, $0xb8;
	[tilespmem:$0x18400] =	vst v63  }
0xc5: {  	_ =	swait.ge [sflag:s24], $0x4000  }
0xc6: {  	[sflag:s24] =	ssyncset.done $0x0  }
0xc7: {  	s26 =	rddreg [dreg:$0x7];
	[sflag:s24] =	ssyncadd.s32 $0xFFFFC000  }
0xc8: {  	[hbm4b:s26+s2] =	stream.linear.scatter [tilespmem:s19], [sflag:$0xA], $0x4000, $0x38;
	[tilespmem:$0x18400] =	vst v63  }
0xc9: {  	_ =	swait.ge [sflag:s5], $0x4000  }
0xca: {  	[sflag:s5] =	ssyncset.done $0x0  }
0xcb: {  	[sflag:s5] =	ssyncadd.s32 $0xFFFFC000  }
0xcc: {  	[tilespmem:s8], [sflag:$0x1] =	stream.indirect.gather [hbm4b:s3+s11], $0x80, s23, s11, $0xb8;
	[tilespmem:$0x18400] =	vst v63  }
0xcd: {  	_ =	swait.ge [sflag:s20], $0x4000  }
0xce: {  	[sflag:s20] =	ssyncset.done $0x0  }
0xcf: {  	s28 =	rddreg [dreg:$0x8];
	[sflag:s20] =	ssyncadd.s32 $0xFFFFC000  }
0xd0: {  	[hbm4b:s28+s2] =	stream.linear.scatter [tilespmem:s17], [sflag:$0xB], $0x4000, $0x38;
	[tilespmem:$0x18400] =	vst v63  }
0xd1: {  	_ =	swait.ge [sflag:s6], $0x4000  }
0xd2: {  	[sflag:s6] =	ssyncset.done $0x0  }
0xd3: {  	[sflag:s6] =	ssyncadd.s32 $0xFFFFC000  }
0xd4: {  	[tilespmem:s7], [sflag:$0x2] =	stream.indirect.gather [hbm4b:s3+s11], $0x80, s21, s11, $0xb8;
	[tilespmem:$0x18400] =	vst v63  }
0xd5: {  	_ =	swait.ge [sflag:s18], $0x4000  }
0xd6: {  	[sflag:s18] =	ssyncset.done $0x0  }
0xd7: {  	s29 =	rddreg [dreg:$0x9];
	[sflag:s18] =	ssyncadd.s32 $0xFFFFC000  }
0xd8: {  	[hbm4b:s29+s2] =	stream.linear.scatter [tilespmem:s16], [sflag:$0xC], $0x4000, $0x38;
	[tilespmem:$0x18400] =	vst v63  }
0xd9: {  	_ =	swait.ge [sflag:s10], $0x4000  }
0xda: {  	[sflag:s10] =	ssyncset.done $0x0  }
0xdb: {  	s30 =	rddreg [dreg:$0xa];
	[sflag:s10] =	ssyncadd.s32 $0xFFFFC000  }
0xdc: {  	[hbm4b:s30+s2] =	stream.linear.scatter [tilespmem:s8], [sflag:$0x7], $0x4000, $0x38;
	[tilespmem:$0x18400] =	vst v63  }
0xdd: {  	_ =	swait.ge [sflag:s9], $0x4000  }
0xde: {  	[sflag:s9] =	ssyncset.done $0x0  }
0xdf: {  	[sflag:s9] =	ssyncadd.s32 $0xFFFFC000  }
0xe0: {  	[hbm4b:s4+s2] =	stream.linear.scatter [tilespmem:s7], [sflag:$0x8], $0x4000, $0x38;
	[tilespmem:$0x18400] =	vst v63  }
0xe1: {  	_ =	swait.ge [sflag:s15], $0x4000  }
0xe2: {  	[sflag:s15] =	ssyncset.done $0x0  }
0xe3: {  	[sflag:s15] =	ssyncadd.s32 $0xFFFFC000  }
0xe4: {  	_ =	swait.ge [sflag:s14], $0x4000  }
0xe5: {  	[sflag:s14] =	ssyncset.done $0x0  }
0xe6: {  	[sflag:s14] =	ssyncadd.s32 $0xFFFFC000  }
0xe7: {  	_ =	swait.ge [sflag:s13], $0x4000  }
0xe8: {  	[sflag:s13] =	ssyncset.done $0x0  }
0xe9: {  	[sflag:s13] =	ssyncadd.s32 $0xFFFFC000  }
0xea: {  	_ =	swait.ge [sflag:s12], $0x4000  }
0xeb: {  	[sflag:s12] =	ssyncset.done $0x0  }
0xec: {  	[sflag:s12] =	ssyncadd.s32 $0xFFFFC000  }
0xed: {  	_ =	swait.ge [sflag:s5], $0x4000  }
0xee: {  	[sflag:s5] =	ssyncset.done $0x0  }
0xef: {  	[sflag:s5] =	ssyncadd.s32 $0xFFFFC000  }
0xf0: {  	_ =	swait.ge [sflag:s6], $0x4000  }
0xf1: {  	[sflag:s6] =	ssyncset.done $0x0  }
0xf2: {  	[sflag:s6] =	ssyncadd.s32 $0xFFFFC000  }
0xf3: {  	_ =	sfence.sel $0x180000  }
0xf4: {  	[bflag:$0x0] =	sbarrier.arrive $0xFFFF  }
0xf5: {  	_ =	strace $0x90000047  }
0xf6: {  	s31 =	stileid.u32;
	[bflag:$0x2] =	sbarrier.arrive $0xFFFF  }
0xf7: {  	p0 =	sne.s32 s31, $0x0;
	s0 =	rddreg [dreg:$0x2]  }
0xf8: {  	s0 =	sadd.s32 @!p0 $0x100000, s0  }
0xf9: {  	[sflag:s0] =	ssyncadd.tile.s32 @!p0 $0x1;
	_ =	shalt  }
.Lfunc_end2:
_tile_overlayer_lowered:
.L_overlay_start_2:
0xfa: {  	(tag) =	ssettag $0x2  }
0xfb: {  	s0 =	rddreg [dreg:$0x0];
	s2 =	stileid.u32  }
0xfc: {  	s1 =	rddreg [dreg:$0x1];
	p0 =	sne.s32 s2, $0x0  }
0xfd: {  	s3 =	rddreg [dreg:$0x2];
	[bflag:$0x3] =	sbarrier.arrive $0xFFFF;
	s2 =	simm.s32 @!p0 $0x1C0D  }
0xfe: {  	[timem:s3], [sflag:s2] =	dma.local @!p0 [hbm:s0], s1  }
0xff: {  	s0 =	simm.s32 @!p0 $0xD  }
0x100: {  	_ =	swait.ge @!p0 [sflag:s0], s1  }
0x101: {  	s1 =	ssub.s32 @!p0 $0x0, s1;
	[sflag:s0] =	ssyncset.done @!p0 $0x0  }
0x102: {  	[sflag:s0] =	ssyncadd.s32 @!p0 s1  }
0x103: {  	[bflag:$0x3] =	sbarrier.arrive $0xFFFF  }
0x104: {  	_ =	shalt  }

</sc_bundles>
